<compile_context>
chip_gen: v7x
topology: tpu7x:2x2x1
jax: 0.10.2.dev20260603
libtpu: 0.0.44.dev20260713+nightly
codegen_flags: <defaults>
</compile_context>

<pallas_src>
import functools

import jax
import jax.numpy as jnp
import numpy as np
from jax import lax
from jax.experimental import pallas as pl
from jax.experimental.pallas import tpu as pltpu
from jax.experimental.pallas import tpu_sc as plsc

N = 10000
E = 320000

NC = 2
NS = 16
FW = 64
C = 64
NCH = 320
E_PAD = NS * NCH * C
SLAB = 632
ACC_ROWS = NS * SLAB
KBITS = 14

_UNPACK_PERM = np.concatenate(
    [np.concatenate([32 * j + np.arange(0, 32, 2),
                     32 * j + np.arange(1, 32, 2)]) for j in range(2)])


def _splat_lane(v16, i):
    return lax.gather(
        v16,
        jnp.full((16, 1), i, jnp.int32),
        lax.GatherDimensionNumbers(
            offset_dims=(), collapsed_slice_dims=(0,), start_index_map=(0,)),
        (1,),
        mode=lax.GatherScatterMode.PROMISE_IN_BOUNDS,
    )


NBUF = 4


def _sc_agg_body(h2_hbm, key_hbm, w_hbm,
                 out_hbm,
                 key_v, w_v, rbuf0, rbuf1, rbuf2, rbuf3,
                 sbuf0, sbuf1, sbuf2, sbuf3, src_sc, dst_sc,
                 acc_sh, gsem0, gsem1, gsem2, gsem3,
                 ssem0, ssem1, ssem2, ssem3):
    cid = lax.axis_index("c")
    sid = lax.axis_index("s")

    pltpu.sync_copy(key_hbm.at[sid], key_v)
    pltpu.sync_copy(w_hbm.at[sid], w_v)

    rbufs = (rbuf0, rbuf1, rbuf2, rbuf3)
    sbufs = (sbuf0, sbuf1, sbuf2, sbuf3)
    gsems = (gsem0, gsem1, gsem2, gsem3)
    ssems = (ssem0, ssem1, ssem2, ssem3)

    shift16 = jnp.full((16,), KBITS, jnp.int32)
    mask16 = jnp.full((16,), (1 << KBITS) - 1, jnp.int32)

    def unpack_src(row, b):
        for g in range(C // 16):
            sl = pl.ds(g * 16, 16)
            src_sc[b, sl] = lax.shift_right_logical(key_v[row, sl], shift16)

    def unpack_dst(row, b):
        for g in range(C // 16):
            sl = pl.ds(g * 16, 16)
            dst_sc[b, sl] = lax.bitwise_and(key_v[row, sl], mask16)

    zero16 = jnp.zeros((16,), jnp.float32)
    for r in range(C):
        for k in range(FW // 16):
            sbuf0[r, pl.ds(k * 16, 16)] = zero16
    base = sid * SLAB
    for j in range(SLAB // C):
        pltpu.sync_copy(sbuf0, acc_sh.at[pl.ds(base + j * C, C)])
    pltpu.sync_copy(sbuf0.at[pl.ds(0, SLAB % C)],
                    acc_sh.at[pl.ds(base + (SLAB // C) * C, SLAB % C)])

    plsc.subcore_barrier()

    htab = h2_hbm.at[cid]

    def scatter_start(b):
        pltpu.async_copy(sbufs[b], acc_sh.at[dst_sc.at[b]], ssems[b], add=True)

    def scatter_wait(b):
        pltpu.make_async_copy(
            sbufs[b], acc_sh.at[dst_sc.at[b]], ssems[b]).wait()

    for b in range(NBUF):
        unpack_src(b, b)
        pltpu.async_copy(htab.at[src_sc.at[b]], rbufs[b], gsems[b])

    def chunk_group(t, _):
        c0 = t * NBUF
        for b in range(NBUF):
            cur = c0 + b
            rbuf = rbufs[b]
            sbuf = sbufs[b]
            pltpu.make_async_copy(htab.at[src_sc.at[b]], rbuf, gsems[b]).wait()

            @pl.when(t >= 1)
            def _():
                scatter_wait(b)

            unpack_dst(cur, b)

            for g in range(C // 16):
                w16 = w_v[cur, pl.ds(g * 16, 16)]
                for i in range(16):
                    e = g * 16 + i
                    ws = _splat_lane(w16, i)
                    for j in range(FW // 32):
                        p32 = rbuf[e, pl.ds(j * 32, 32)]
                        va, vb = plsc.unpack(
                            p32, format=plsc.PackFormat.INTERLEAVED)
                        sbuf[e, pl.ds(j * 32, 16)] = va * ws
                        sbuf[e, pl.ds(j * 32 + 16, 16)] = vb * ws

            scatter_start(b)

            nxt = cur + NBUF

            @pl.when(nxt < NCH)
            def _():
                unpack_src(nxt, b)
                pltpu.async_copy(htab.at[src_sc.at[b]], rbuf, gsems[b])

        return ()

    lax.fori_loop(0, NCH // NBUF, chunk_group, (), unroll=False)

    for b in range(NBUF):
        scatter_wait(b)

    plsc.subcore_barrier()

    pltpu.sync_copy(acc_sh.at[pl.ds(base, SLAB)],
                    out_hbm.at[cid].at[pl.ds(base, SLAB)])


@jax.jit
def _sc_aggregate(h2, key2, w2):
    mesh = plsc.VectorSubcoreMesh(core_axis_name="c", subcore_axis_name="s")
    return pl.kernel(
        _sc_agg_body,
        out_type=jax.ShapeDtypeStruct((NC, ACC_ROWS, FW), jnp.float32),
        mesh=mesh,
        compiler_params=pltpu.CompilerParams(use_tc_tiling_on_sc=False, needs_layout_passes=False),
        scratch_types=[
            pltpu.VMEM((NCH, C), jnp.int32),
            pltpu.VMEM((NCH, C), jnp.float32),
            pltpu.VMEM((C, FW), jnp.bfloat16),
            pltpu.VMEM((C, FW), jnp.bfloat16),
            pltpu.VMEM((C, FW), jnp.bfloat16),
            pltpu.VMEM((C, FW), jnp.bfloat16),
            pltpu.VMEM((C, FW), jnp.float32),
            pltpu.VMEM((C, FW), jnp.float32),
            pltpu.VMEM((C, FW), jnp.float32),
            pltpu.VMEM((C, FW), jnp.float32),
            pltpu.VMEM((NBUF, C), jnp.int32),
            pltpu.VMEM((NBUF, C), jnp.int32),
            pltpu.VMEM_SHARED((ACC_ROWS, FW), jnp.float32),
            pltpu.SemaphoreType.DMA,
            pltpu.SemaphoreType.DMA,
            pltpu.SemaphoreType.DMA,
            pltpu.SemaphoreType.DMA,
            pltpu.SemaphoreType.DMA,
            pltpu.SemaphoreType.DMA,
            pltpu.SemaphoreType.DMA,
            pltpu.SemaphoreType.DMA,
        ],
    )(h2, key2, w2)


def _sc_degree_body(dst_hbm, deg_hbm, dst_v, ones_v, zb16, dacc_sh):
    cid = lax.axis_index("c")
    sid = lax.axis_index("s")

    ones16 = jnp.ones((16,), jnp.float32)
    zero16 = jnp.zeros((16,), jnp.float32)
    for r in range(C):
        ones_v[r, :] = ones16
        zb16[r, :] = zero16

    base = sid * SLAB

    @pl.when(cid == 0)
    def _():
        pltpu.sync_copy(dst_hbm.at[sid], dst_v)
        for j in range(SLAB // C):
            pltpu.sync_copy(zb16, dacc_sh.at[pl.ds(base + j * C, C)])
        pltpu.sync_copy(zb16.at[pl.ds(0, SLAB % C)],
                        dacc_sh.at[pl.ds(base + (SLAB // C) * C, SLAB % C)])

    plsc.subcore_barrier()

    @pl.when(cid == 0)
    def _():
        def chunk(c, _):
            pltpu.sync_copy(ones_v, dacc_sh.at[dst_v.at[c]], add=True)
            return ()

        lax.fori_loop(0, NCH, chunk, (), unroll=False)

    plsc.subcore_barrier()

    @pl.when(cid == 0)
    def _():
        pltpu.sync_copy(dacc_sh.at[pl.ds(base, SLAB)],
                        deg_hbm.at[pl.ds(base, SLAB)])


@jax.jit
def _sc_degree(dst2):
    mesh = plsc.VectorSubcoreMesh(core_axis_name="c", subcore_axis_name="s")
    return pl.kernel(
        _sc_degree_body,
        out_type=jax.ShapeDtypeStruct((ACC_ROWS, 16), jnp.float32),
        mesh=mesh,
        compiler_params=pltpu.CompilerParams(use_tc_tiling_on_sc=False),
        scratch_types=[
            pltpu.VMEM((NCH, C), jnp.int32),
            pltpu.VMEM((C, 16), jnp.float32),
            pltpu.VMEM((C, 16), jnp.float32),
            pltpu.VMEM_SHARED((ACC_ROWS, 16), jnp.float32),
        ],
    )(dst2)


def _tc_combine_body(relu, h_ref, a_ref, d_ref, ws_ref, b_ref,
                     wnl_ref, wnr_ref, o_ref):
    inv = 1.0 / jnp.maximum(d_ref[:, 0:1], 1.0)
    out = (jnp.dot(h_ref[...], ws_ref[...],
                   preferred_element_type=jnp.float32)
           + b_ref[...]
           + jnp.dot(a_ref[0] * inv, wnl_ref[...],
                     preferred_element_type=jnp.float32)
           + jnp.dot(a_ref[1] * inv, wnr_ref[...],
                     preferred_element_type=jnp.float32))
    if relu:
        out = jnp.maximum(out, 0.0)
    o_ref[...] = out


@functools.partial(jax.jit, static_argnames=("relu",))
def _tc_combine(h, agg, deg, w_self, b_self, w_neigh, relu):
    B = 1000
    grid = (N // B,)
    return pl.pallas_call(
        functools.partial(_tc_combine_body, relu),
        grid=grid,
        in_specs=[
            pl.BlockSpec((B, 128), lambda i: (i, 0)),
            pl.BlockSpec((NC, B, FW), lambda i: (0, i, 0)),
            pl.BlockSpec((B, 16), lambda i: (i, 0)),
            pl.BlockSpec((128, 128), lambda i: (0, 0)),
            pl.BlockSpec((1, 128), lambda i: (0, 0)),
            pl.BlockSpec((FW, 128), lambda i: (0, 0)),
            pl.BlockSpec((FW, 128), lambda i: (0, 0)),
        ],
        out_specs=pl.BlockSpec((B, 128), lambda i: (i, 0)),
        out_shape=jax.ShapeDtypeStruct((N, 128), jnp.float32),
    )(h, agg, deg, w_self, b_self.reshape(1, 128),
      w_neigh[:FW][_UNPACK_PERM], w_neigh[FW:][_UNPACK_PERM])


def kernel(in_feat, edge_index, edge_weights,
           W_self0, b_self0, W_neigh0,
           W_self1, b_self1, W_neigh1,
           W_self2, b_self2, W_neigh2):
    src = edge_index[0]
    dst = edge_index[1]
    pad = E_PAD - E
    src_p = jnp.concatenate([src, jnp.zeros((pad,), jnp.int32)])
    dst_agg = jnp.concatenate([dst, jnp.zeros((pad,), jnp.int32)])
    dst_deg = jnp.concatenate([dst, jnp.full((pad,), N, jnp.int32)])
    key2 = ((src_p << KBITS) | dst_agg).reshape(NS, NCH, C)
    dst2 = dst_deg.reshape(NS, NCH, C)
    w2 = jnp.concatenate([edge_weights,
                          jnp.zeros((pad,), jnp.float32)]).reshape(NS, NCH, C)

    deg = _sc_degree(dst2)

    params = [
        (W_self0, b_self0, W_neigh0),
        (W_self1, b_self1, W_neigh1),
        (W_self2, b_self2, W_neigh2),
    ]
    h = in_feat
    for l in range(3):
        ws, bs, wn = params[l]
        h2 = jnp.stack([h[:, :FW], h[:, FW:]]).astype(jnp.bfloat16)
        agg = _sc_aggregate(h2, key2, w2)
        h = _tc_combine(h, agg, deg, ws, bs, wn, relu=(l < 2))
    return h

# --- scband reference (transcript-rebuilt; emitter-appended) ---
"""Pipeline reference for scband-graph-sage-54116587929910 (READ-ONLY COPY).

The authoritative reference and input builder live on the scoring server;
editing this copy changes nothing except your own understanding.
"""

import jax, jax.numpy as jnp
import numpy as np

N = 10000
E = 320000
D = 128
H = 128
NUM_LAYERS = 3  # first SAGEConv + num_layers(=2) additional SAGEConv layers


def setup_inputs(seed: int = 0) -> dict:
    key = jax.random.key(seed)
    ks = jax.random.split(key, 3 + 3 * NUM_LAYERS)
    inp = {}
    inp["in_feat"] = jax.random.normal(ks[0], (N, D), dtype=jnp.float32)
    # DGL graph replaced by edge_index: row 0 = src, row 1 = dst
    inp["edge_index"] = jax.random.randint(ks[1], (2, E), 0, N, dtype=jnp.int32)
    inp["edge_weights"] = jax.random.uniform(ks[2], (E,), dtype=jnp.float32)
    # SAGEConv params per layer: fc_self (Linear with bias), fc_neigh (Linear no bias)
    dims = [(D, H)] + [(H, H)] * (NUM_LAYERS - 1)
    for l, (din, dout) in enumerate(dims):
        s = 1.0 / np.sqrt(din)
        inp[f"W_self{l}"] = jax.random.uniform(ks[3 + 3 * l], (din, dout), dtype=jnp.float32, minval=-s, maxval=s)
        inp[f"b_self{l}"] = jax.random.uniform(ks[4 + 3 * l], (dout,), dtype=jnp.float32, minval=-s, maxval=s)
        inp[f"W_neigh{l}"] = jax.random.uniform(ks[5 + 3 * l], (din, dout), dtype=jnp.float32, minval=-s, maxval=s)
    return inp


def _sage_layer(h, src, dst, w_e, W_self, b_self, W_neigh):
    # message: u_mul_e (src feature * edge weight); reduce: mean over in-edges
    m = h[src] * w_e[:, None]
    neigh_sum = jax.ops.segment_sum(m, dst, num_segments=N)
    deg = jax.ops.segment_sum(jnp.ones_like(w_e), dst, num_segments=N)
    deg = jnp.maximum(deg, 1.0)
    h_neigh = neigh_sum / deg[:, None]
    return h @ W_self + b_self + h_neigh @ W_neigh


def reference(in_feat, edge_index, edge_weights,
              W_self0, b_self0, W_neigh0,
              W_self1, b_self1, W_neigh1,
              W_self2, b_self2, W_neigh2):
    src = edge_index[0]
    dst = edge_index[1]
    params = [
        (W_self0, b_self0, W_neigh0),
        (W_self1, b_self1, W_neigh1),
        (W_self2, b_self2, W_neigh2),
    ]
    h = in_feat
    for l in range(NUM_LAYERS - 1):
        Ws, bs, Wn = params[l]
        h = _sage_layer(h, src, dst, edge_weights, Ws, bs, Wn)
        h = jax.nn.relu(h)
    Ws, bs, Wn = params[-1]
    h = _sage_layer(h, src, dst, edge_weights, Ws, bs, Wn)
    return h

if __name__ == "__main__":
    import jax
    _d = setup_inputs()
    print(jax.jit(kernel)(*tuple(_d.values())))

</pallas_src>

<mosaic_0001>
#map = affine_map<(d0, d1) -> (0, 0, 0)>
#map1 = affine_map<(d0, d1) -> (0, 0)>
module attributes {stable_mosaic.version = 14 : i64} {
  func.func @_sc_degree_body(%arg0: i32, %arg1: i32, %arg2: memref<16x320x64xi32, #tpu.memory_space<hbm>>, %arg3: memref<10112x16xf32, #tpu.memory_space<hbm>>, %arg4: memref<320x64xi32, #tpu.memory_space<vmem>>, %arg5: memref<64x16xf32, #tpu.memory_space<vmem>>, %arg6: memref<64x16xf32, #tpu.memory_space<vmem>>, %arg7: memref<10112x16xf32, #tpu.memory_space<vmem_shared>>) attributes {dimension_semantics = [#tpu.dimension_semantics<core_parallel>, #tpu.dimension_semantics<subcore_parallel>], iteration_bounds = array<i64: 2, 16>, scalar_prefetch = 0 : i64, scratch_operands = 4 : i64, tpu.core_type = #tpu.core_type<sc_vector_subcore>, window_params = [{transform_indices = #map}, {transform_indices = #map1}]} {
    %broadcast_in_dim3A = arith.constant 1.000000e+00 : f32
    %broadcast_in_dim3A_0 = vector.broadcast %broadcast_in_dim3A : f32 to vector<16xf32>
    %broadcast_in_dim3A_1 = arith.constant 0.000000e+00 : f32
    %broadcast_in_dim3A_2 = vector.broadcast %broadcast_in_dim3A_1 : f32 to vector<16xf32>
    %swap3A = arith.constant 0 : i32
    %swap3A_3 = arith.index_cast %swap3A : i32 to index
    %swap3A_4 = arith.constant 0 : index
    %swap3A_5 = tpu.vector_load %arg5[%swap3A_3, %swap3A_4] {strides = array<i32>} : memref<64x16xf32, #tpu.memory_space<vmem>>, vector<1x16xf32>,
    %swap3A_6 = vector.shape_cast %swap3A_5 : vector<1x16xf32> to vector<16xf32>
    %swap3A_7 = vector.shape_cast %broadcast_in_dim3A_0 : vector<16xf32> to vector<1x16xf32>
    tpu.vector_store %arg5[%swap3A_3, %swap3A_4], %swap3A_7 {strides = array<i32>} : memref<64x16xf32, #tpu.memory_space<vmem>>, vector<1x16xf32>,
    %swap3A_8 = arith.constant 0 : i32
    %swap3A_9 = arith.index_cast %swap3A_8 : i32 to index
    %swap3A_10 = arith.constant 0 : index
    %swap3A_11 = tpu.vector_load %arg6[%swap3A_9, %swap3A_10] {strides = array<i32>} : memref<64x16xf32, #tpu.memory_space<vmem>>, vector<1x16xf32>,
    %swap3A_12 = vector.shape_cast %swap3A_11 : vector<1x16xf32> to vector<16xf32>
    %swap3A_13 = vector.shape_cast %broadcast_in_dim3A_2 : vector<16xf32> to vector<1x16xf32>
    tpu.vector_store %arg6[%swap3A_9, %swap3A_10], %swap3A_13 {strides = array<i32>} : memref<64x16xf32, #tpu.memory_space<vmem>>, vector<1x16xf32>,
    %swap3A_14 = arith.constant 1 : i32
    %swap3A_15 = arith.index_cast %swap3A_14 : i32 to index
    %swap3A_16 = arith.constant 0 : index
    %swap3A_17 = tpu.vector_load %arg5[%swap3A_15, %swap3A_16] {strides = array<i32>} : memref<64x16xf32, #tpu.memory_space<vmem>>, vector<1x16xf32>,
    %swap3A_18 = vector.shape_cast %swap3A_17 : vector<1x16xf32> to vector<16xf32>
    %swap3A_19 = vector.shape_cast %broadcast_in_dim3A_0 : vector<16xf32> to vector<1x16xf32>
    tpu.vector_store %arg5[%swap3A_15, %swap3A_16], %swap3A_19 {strides = array<i32>} : memref<64x16xf32, #tpu.memory_space<vmem>>, vector<1x16xf32>,
    %swap3A_20 = arith.constant 1 : i32
    %swap3A_21 = arith.index_cast %swap3A_20 : i32 to index
    %swap3A_22 = arith.constant 0 : index
    %swap3A_23 = tpu.vector_load %arg6[%swap3A_21, %swap3A_22] {strides = array<i32>} : memref<64x16xf32, #tpu.memory_space<vmem>>, vector<1x16xf32>,
    %swap3A_24 = vector.shape_cast %swap3A_23 : vector<1x16xf32> to vector<16xf32>
    %swap3A_25 = vector.shape_cast %broadcast_in_dim3A_2 : vector<16xf32> to vector<1x16xf32>
    tpu.vector_store %arg6[%swap3A_21, %swap3A_22], %swap3A_25 {strides = array<i32>} : memref<64x16xf32, #tpu.memory_space<vmem>>, vector<1x16xf32>,
    %swap3A_26 = arith.constant 2 : i32
    %swap3A_27 = arith.index_cast %swap3A_26 : i32 to index
    %swap3A_28 = arith.constant 0 : index
    %swap3A_29 = tpu.vector_load %arg5[%swap3A_27, %swap3A_28] {strides = array<i32>} : memref<64x16xf32, #tpu.memory_space<vmem>>, vector<1x16xf32>,
    %swap3A_30 = vector.shape_cast %swap3A_29 : vector<1x16xf32> to vector<16xf32>
    %swap3A_31 = vector.shape_cast %broadcast_in_dim3A_0 : vector<16xf32> to vector<1x16xf32>
    tpu.vector_store %arg5[%swap3A_27, %swap3A_28], %swap3A_31 {strides = array<i32>} : memref<64x16xf32, #tpu.memory_space<vmem>>, vector<1x16xf32>,
    %swap3A_32 = arith.constant 2 : i32
    %swap3A_33 = arith.index_cast %swap3A_32 : i32 to index
    %swap3A_34 = arith.constant 0 : index
    %swap3A_35 = tpu.vector_load %arg6[%swap3A_33, %swap3A_34] {strides = array<i32>} : memref<64x16xf32, #tpu.memory_space<vmem>>, vector<1x16xf32>,
    %swap3A_36 = vector.shape_cast %swap3A_35 : vector<1x16xf32> to vector<16xf32>
    %swap3A_37 = vector.shape_cast %broadcast_in_dim3A_2 : vector<16xf32> to vector<1x16xf32>
    tpu.vector_store %arg6[%swap3A_33, %swap3A_34], %swap3A_37 {strides = array<i32>} : memref<64x16xf32, #tpu.memory_space<vmem>>, vector<1x16xf32>,
    %swap3A_38 = arith.constant 3 : i32
    %swap3A_39 = arith.index_cast %swap3A_38 : i32 to index
    %swap3A_40 = arith.constant 0 : index
    %swap3A_41 = tpu.vector_load %arg5[%swap3A_39, %swap3A_40] {strides = array<i32>} : memref<64x16xf32, #tpu.memory_space<vmem>>, vector<1x16xf32>,
    %swap3A_42 = vector.shape_cast %swap3A_41 : vector<1x16xf32> to vector<16xf32>
    %swap3A_43 = vector.shape_cast %broadcast_in_dim3A_0 : vector<16xf32> to vector<1x16xf32>
    tpu.vector_store %arg5[%swap3A_39, %swap3A_40], %swap3A_43 {strides = array<i32>} : memref<64x16xf32, #tpu.memory_space<vmem>>, vector<1x16xf32>,
    %swap3A_44 = arith.constant 3 : i32
    %swap3A_45 = arith.index_cast %swap3A_44 : i32 to index
    %swap3A_46 = arith.constant 0 : index
    %swap3A_47 = tpu.vector_load %arg6[%swap3A_45, %swap3A_46] {strides = array<i32>} : memref<64x16xf32, #tpu.memory_space<vmem>>, vector<1x16xf32>,
    %swap3A_48 = vector.shape_cast %swap3A_47 : vector<1x16xf32> to vector<16xf32>
    %swap3A_49 = vector.shape_cast %broadcast_in_dim3A_2 : vector<16xf32> to vector<1x16xf32>
    tpu.vector_store %arg6[%swap3A_45, %swap3A_46], %swap3A_49 {strides = array<i32>} : memref<64x16xf32, #tpu.memory_space<vmem>>, vector<1x16xf32>,
    %swap3A_50 = arith.constant 4 : i32
    %swap3A_51 = arith.index_cast %swap3A_50 : i32 to index
    %swap3A_52 = arith.constant 0 : index
    %swap3A_53 = tpu.vector_load %arg5[%swap3A_51, %swap3A_52] {strides = array<i32>} : memref<64x16xf32, #tpu.memory_space<vmem>>, vector<1x16xf32>,
    %swap3A_54 = vector.shape_cast %swap3A_53 : vector<1x16xf32> to vector<16xf32>
    %swap3A_55 = vector.shape_cast %broadcast_in_dim3A_0 : vector<16xf32> to vector<1x16xf32>
    tpu.vector_store %arg5[%swap3A_51, %swap3A_52], %swap3A_55 {strides = array<i32>} : memref<64x16xf32, #tpu.memory_space<vmem>>, vector<1x16xf32>,
    %swap3A_56 = arith.constant 4 : i32
    %swap3A_57 = arith.index_cast %swap3A_56 : i32 to index
    %swap3A_58 = arith.constant 0 : index
    %swap3A_59 = tpu.vector_load %arg6[%swap3A_57, %swap3A_58] {strides = array<i32>} : memref<64x16xf32, #tpu.memory_space<vmem>>, vector<1x16xf32>,
    %swap3A_60 = vector.shape_cast %swap3A_59 : vector<1x16xf32> to vector<16xf32>
    %swap3A_61 = vector.shape_cast %broadcast_in_dim3A_2 : vector<16xf32> to vector<1x16xf32>
    tpu.vector_store %arg6[%swap3A_57, %swap3A_58], %swap3A_61 {strides = array<i32>} : memref<64x16xf32, #tpu.memory_space<vmem>>, vector<1x16xf32>,
    %swap3A_62 = arith.constant 5 : i32
    %swap3A_63 = arith.index_cast %swap3A_62 : i32 to index
    %swap3A_64 = arith.constant 0 : index
    %swap3A_65 = tpu.vector_load %arg5[%swap3A_63, %swap3A_64] {strides = array<i32>} : memref<64x16xf32, #tpu.memory_space<vmem>>, vector<1x16xf32>,
    %swap3A_66 = vector.shape_cast %swap3A_65 : vector<1x16xf32> to vector<16xf32>
    %swap3A_67 = vector.shape_cast %broadcast_in_dim3A_0 : vector<16xf32> to vector<1x16xf32>
    tpu.vector_store %arg5[%swap3A_63, %swap3A_64], %swap3A_67 {strides = array<i32>} : memref<64x16xf32, #tpu.memory_space<vmem>>, vector<1x16xf32>,
    %swap3A_68 = arith.constant 5 : i32
    %swap3A_69 = arith.index_cast %swap3A_68 : i32 to index
    %swap3A_70 = arith.constant 0 : index
    %swap3A_71 = tpu.vector_load %arg6[%swap3A_69, %swap3A_70] {strides = array<i32>} : memref<64x16xf32, #tpu.memory_space<vmem>>, vector<1x16xf32>,
    %swap3A_72 = vector.shape_cast %swap3A_71 : vector<1x16xf32> to vector<16xf32>
    %swap3A_73 = vector.shape_cast %broadcast_in_dim3A_2 : vector<16xf32> to vector<1x16xf32>
    tpu.vector_store %arg6[%swap3A_69, %swap3A_70], %swap3A_73 {strides = array<i32>} : memref<64x16xf32, #tpu.memory_space<vmem>>, vector<1x16xf32>,
    %swap3A_74 = arith.constant 6 : i32
    %swap3A_75 = arith.index_cast %swap3A_74 : i32 to index
    %swap3A_76 = arith.constant 0 : index
    %swap3A_77 = tpu.vector_load %arg5[%swap3A_75, %swap3A_76] {strides = array<i32>} : memref<64x16xf32, #tpu.memory_space<vmem>>, vector<1x16xf32>,
    %swap3A_78 = vector.shape_cast %swap3A_77 : vector<1x16xf32> to vector<16xf32>
    %swap3A_79 = vector.shape_cast %broadcast_in_dim3A_0 : vector<16xf32> to vector<1x16xf32>
    tpu.vector_store %arg5[%swap3A_75, %swap3A_76], %swap3A_79 {strides = array<i32>} : memref<64x16xf32, #tpu.memory_space<vmem>>, vector<1x16xf32>,
    %swap3A_80 = arith.constant 6 : i32
    %swap3A_81 = arith.index_cast %swap3A_80 : i32 to index
    %swap3A_82 = arith.constant 0 : index
    %swap3A_83 = tpu.vector_load %arg6[%swap3A_81, %swap3A_82] {strides = array<i32>} : memref<64x16xf32, #tpu.memory_space<vmem>>, vector<1x16xf32>,
    %swap3A_84 = vector.shape_cast %swap3A_83 : vector<1x16xf32> to vector<16xf32>
    %swap3A_85 = vector.shape_cast %broadcast_in_dim3A_2 : vector<16xf32> to vector<1x16xf32>
    tpu.vector_store %arg6[%swap3A_81, %swap3A_82], %swap3A_85 {strides = array<i32>} : memref<64x16xf32, #tpu.memory_space<vmem>>, vector<1x16xf32>,
    %swap3A_86 = arith.constant 7 : i32
    %swap3A_87 = arith.index_cast %swap3A_86 : i32 to index
    %swap3A_88 = arith.constant 0 : index
    %swap3A_89 = tpu.vector_load %arg5[%swap3A_87, %swap3A_88] {strides = array<i32>} : memref<64x16xf32, #tpu.memory_space<vmem>>, vector<1x16xf32>,
    %swap3A_90 = vector.shape_cast %swap3A_89 : vector<1x16xf32> to vector<16xf32>
    %swap3A_91 = vector.shape_cast %broadcast_in_dim3A_0 : vector<16xf32> to vector<1x16xf32>
    tpu.vector_store %arg5[%swap3A_87, %swap3A_88], %swap3A_91 {strides = array<i32>} : memref<64x16xf32, #tpu.memory_space<vmem>>, vector<1x16xf32>,
    %swap3A_92 = arith.constant 7 : i32
    %swap3A_93 = arith.index_cast %swap3A_92 : i32 to index
    %swap3A_94 = arith.constant 0 : index
    %swap3A_95 = tpu.vector_load %arg6[%swap3A_93, %swap3A_94] {strides = array<i32>} : memref<64x16xf32, #tpu.memory_space<vmem>>, vector<1x16xf32>,
    %swap3A_96 = vector.shape_cast %swap3A_95 : vector<1x16xf32> to vector<16xf32>
    %swap3A_97 = vector.shape_cast %broadcast_in_dim3A_2 : vector<16xf32> to vector<1x16xf32>
    tpu.vector_store %arg6[%swap3A_93, %swap3A_94], %swap3A_97 {strides = array<i32>} : memref<64x16xf32, #tpu.memory_space<vmem>>, vector<1x16xf32>,
    %swap3A_98 = arith.constant 8 : i32
    %swap3A_99 = arith.index_cast %swap3A_98 : i32 to index
    %swap3A_100 = arith.constant 0 : index
    %swap3A_101 = tpu.vector_load %arg5[%swap3A_99, %swap3A_100] {strides = array<i32>} : memref<64x16xf32, #tpu.memory_space<vmem>>, vector<1x16xf32>,
    %swap3A_102 = vector.shape_cast %swap3A_101 : vector<1x16xf32> to vector<16xf32>
    %swap3A_103 = vector.shape_cast %broadcast_in_dim3A_0 : vector<16xf32> to vector<1x16xf32>
    tpu.vector_store %arg5[%swap3A_99, %swap3A_100], %swap3A_103 {strides = array<i32>} : memref<64x16xf32, #tpu.memory_space<vmem>>, vector<1x16xf32>,
    %swap3A_104 = arith.constant 8 : i32
    %swap3A_105 = arith.index_cast %swap3A_104 : i32 to index
    %swap3A_106 = arith.constant 0 : index
    %swap3A_107 = tpu.vector_load %arg6[%swap3A_105, %swap3A_106] {strides = array<i32>} : memref<64x16xf32, #tpu.memory_space<vmem>>, vector<1x16xf32>,
    %swap3A_108 = vector.shape_cast %swap3A_107 : vector<1x16xf32> to vector<16xf32>
    %swap3A_109 = vector.shape_cast %broadcast_in_dim3A_2 : vector<16xf32> to vector<1x16xf32>
    tpu.vector_store %arg6[%swap3A_105, %swap3A_106], %swap3A_109 {strides = array<i32>} : memref<64x16xf32, #tpu.memory_space<vmem>>, vector<1x16xf32>,
    %swap3A_110 = arith.constant 9 : i32
    %swap3A_111 = arith.index_cast %swap3A_110 : i32 to index
    %swap3A_112 = arith.constant 0 : index
    %swap3A_113 = tpu.vector_load %arg5[%swap3A_111, %swap3A_112] {strides = array<i32>} : memref<64x16xf32, #tpu.memory_space<vmem>>, vector<1x16xf32>,
    %swap3A_114 = vector.shape_cast %swap3A_113 : vector<1x16xf32> to vector<16xf32>
    %swap3A_115 = vector.shape_cast %broadcast_in_dim3A_0 : vector<16xf32> to vector<1x16xf32>
    tpu.vector_store %arg5[%swap3A_111, %swap3A_112], %swap3A_115 {strides = array<i32>} : memref<64x16xf32, #tpu.memory_space<vmem>>, vector<1x16xf32>,
    %swap3A_116 = arith.constant 9 : i32
    %swap3A_117 = arith.index_cast %swap3A_116 : i32 to index
    %swap3A_118 = arith.constant 0 : index
    %swap3A_119 = tpu.vector_load %arg6[%swap3A_117, %swap3A_118] {strides = array<i32>} : memref<64x16xf32, #tpu.memory_space<vmem>>, vector<1x16xf32>,
    %swap3A_120 = vector.shape_cast %swap3A_119 : vector<1x16xf32> to vector<16xf32>
    %swap3A_121 = vector.shape_cast %broadcast_in_dim3A_2 : vector<16xf32> to vector<1x16xf32>
    tpu.vector_store %arg6[%swap3A_117, %swap3A_118], %swap3A_121 {strides = array<i32>} : memref<64x16xf32, #tpu.memory_space<vmem>>, vector<1x16xf32>,
    %swap3A_122 = arith.constant 10 : i32
    %swap3A_123 = arith.index_cast %swap3A_122 : i32 to index
    %swap3A_124 = arith.constant 0 : index
    %swap3A_125 = tpu.vector_load %arg5[%swap3A_123, %swap3A_124] {strides = array<i32>} : memref<64x16xf32, #tpu.memory_space<vmem>>, vector<1x16xf32>,
    %swap3A_126 = vector.shape_cast %swap3A_125 : vector<1x16xf32> to vector<16xf32>
    %swap3A_127 = vector.shape_cast %broadcast_in_dim3A_0 : vector<16xf32> to vector<1x16xf32>
    tpu.vector_store %arg5[%swap3A_123, %swap3A_124], %swap3A_127 {strides = array<i32>} : memref<64x16xf32, #tpu.memory_space<vmem>>, vector<1x16xf32>,
    %swap3A_128 = arith.constant 10 : i32
    %swap3A_129 = arith.index_cast %swap3A_128 : i32 to index
    %swap3A_130 = arith.constant 0 : index
    %swap3A_131 = tpu.vector_load %arg6[%swap3A_129, %swap3A_130] {strides = array<i32>} : memref<64x16xf32, #tpu.memory_space<vmem>>, vector<1x16xf32>,
    %swap3A_132 = vector.shape_cast %swap3A_131 : vector<1x16xf32> to vector<16xf32>
    %swap3A_133 = vector.shape_cast %broadcast_in_dim3A_2 : vector<16xf32> to vector<1x16xf32>
    tpu.vector_store %arg6[%swap3A_129, %swap3A_130], %swap3A_133 {strides = array<i32>} : memref<64x16xf32, #tpu.memory_space<vmem>>, vector<1x16xf32>,
    %swap3A_134 = arith.constant 11 : i32
    %swap3A_135 = arith.index_cast %swap3A_134 : i32 to index
    %swap3A_136 = arith.constant 0 : index
    %swap3A_137 = tpu.vector_load %arg5[%swap3A_135, %swap3A_136] {strides = array<i32>} : memref<64x16xf32, #tpu.memory_space<vmem>>, vector<1x16xf32>,
    %swap3A_138 = vector.shape_cast %swap3A_137 : vector<1x16xf32> to vector<16xf32>
    %swap3A_139 = vector.shape_cast %broadcast_in_dim3A_0 : vector<16xf32> to vector<1x16xf32>
    tpu.vector_store %arg5[%swap3A_135, %swap3A_136], %swap3A_139 {strides = array<i32>} : memref<64x16xf32, #tpu.memory_space<vmem>>, vector<1x16xf32>,
    %swap3A_140 = arith.constant 11 : i32
    %swap3A_141 = arith.index_cast %swap3A_140 : i32 to index
    %swap3A_142 = arith.constant 0 : index
    %swap3A_143 = tpu.vector_load %arg6[%swap3A_141, %swap3A_142] {strides = array<i32>} : memref<64x16xf32, #tpu.memory_space<vmem>>, vector<1x16xf32>,
    %swap3A_144 = vector.shape_cast %swap3A_143 : vector<1x16xf32> to vector<16xf32>
    %swap3A_145 = vector.shape_cast %broadcast_in_dim3A_2 : vector<16xf32> to vector<1x16xf32>
    tpu.vector_store %arg6[%swap3A_141, %swap3A_142], %swap3A_145 {strides = array<i32>} : memref<64x16xf32, #tpu.memory_space<vmem>>, vector<1x16xf32>,
    %swap3A_146 = arith.constant 12 : i32
    %swap3A_147 = arith.index_cast %swap3A_146 : i32 to index
    %swap3A_148 = arith.constant 0 : index
    %swap3A_149 = tpu.vector_load %arg5[%swap3A_147, %swap3A_148] {strides = array<i32>} : memref<64x16xf32, #tpu.memory_space<vmem>>, vector<1x16xf32>,
    %swap3A_150 = vector.shape_cast %swap3A_149 : vector<1x16xf32> to vector<16xf32>
    %swap3A_151 = vector.shape_cast %broadcast_in_dim3A_0 : vector<16xf32> to vector<1x16xf32>
    tpu.vector_store %arg5[%swap3A_147, %swap3A_148], %swap3A_151 {strides = array<i32>} : memref<64x16xf32, #tpu.memory_space<vmem>>, vector<1x16xf32>,
    %swap3A_152 = arith.constant 12 : i32
    %swap3A_153 = arith.index_cast %swap3A_152 : i32 to index
    %swap3A_154 = arith.constant 0 : index
    %swap3A_155 = tpu.vector_load %arg6[%swap3A_153, %swap3A_154] {strides = array<i32>} : memref<64x16xf32, #tpu.memory_space<vmem>>, vector<1x16xf32>,
    %swap3A_156 = vector.shape_cast %swap3A_155 : vector<1x16xf32> to vector<16xf32>
    %swap3A_157 = vector.shape_cast %broadcast_in_dim3A_2 : vector<16xf32> to vector<1x16xf32>
    tpu.vector_store %arg6[%swap3A_153, %swap3A_154], %swap3A_157 {strides = array<i32>} : memref<64x16xf32, #tpu.memory_space<vmem>>, vector<1x16xf32>,
    %swap3A_158 = arith.constant 13 : i32
    %swap3A_159 = arith.index_cast %swap3A_158 : i32 to index
    %swap3A_160 = arith.constant 0 : index
    %swap3A_161 = tpu.vector_load %arg5[%swap3A_159, %swap3A_160] {strides = array<i32>} : memref<64x16xf32, #tpu.memory_space<vmem>>, vector<1x16xf32>,
    %swap3A_162 = vector.shape_cast %swap3A_161 : vector<1x16xf32> to vector<16xf32>
    %swap3A_163 = vector.shape_cast %broadcast_in_dim3A_0 : vector<16xf32> to vector<1x16xf32>
    tpu.vector_store %arg5[%swap3A_159, %swap3A_160], %swap3A_163 {strides = array<i32>} : memref<64x16xf32, #tpu.memory_space<vmem>>, vector<1x16xf32>,
    %swap3A_164 = arith.constant 13 : i32
    %swap3A_165 = arith.index_cast %swap3A_164 : i32 to index
    %swap3A_166 = arith.constant 0 : index
    %swap3A_167 = tpu.vector_load %arg6[%swap3A_165, %swap3A_166] {strides = array<i32>} : memref<64x16xf32, #tpu.memory_space<vmem>>, vector<1x16xf32>,
    %swap3A_168 = vector.shape_cast %swap3A_167 : vector<1x16xf32> to vector<16xf32>
    %swap3A_169 = vector.shape_cast %broadcast_in_dim3A_2 : vector<16xf32> to vector<1x16xf32>
    tpu.vector_store %arg6[%swap3A_165, %swap3A_166], %swap3A_169 {strides = array<i32>} : memref<64x16xf32, #tpu.memory_space<vmem>>, vector<1x16xf32>,
    %swap3A_170 = arith.constant 14 : i32
    %swap3A_171 = arith.index_cast %swap3A_170 : i32 to index
    %swap3A_172 = arith.constant 0 : index
    %swap3A_173 = tpu.vector_load %arg5[%swap3A_171, %swap3A_172] {strides = array<i32>} : memref<64x16xf32, #tpu.memory_space<vmem>>, vector<1x16xf32>,
    %swap3A_174 = vector.shape_cast %swap3A_173 : vector<1x16xf32> to vector<16xf32>
    %swap3A_175 = vector.shape_cast %broadcast_in_dim3A_0 : vector<16xf32> to vector<1x16xf32>
    tpu.vector_store %arg5[%swap3A_171, %swap3A_172], %swap3A_175 {strides = array<i32>} : memref<64x16xf32, #tpu.memory_space<vmem>>, vector<1x16xf32>,
    %swap3A_176 = arith.constant 14 : i32
    %swap3A_177 = arith.index_cast %swap3A_176 : i32 to index
    %swap3A_178 = arith.constant 0 : index
    %swap3A_179 = tpu.vector_load %arg6[%swap3A_177, %swap3A_178] {strides = array<i32>} : memref<64x16xf32, #tpu.memory_space<vmem>>, vector<1x16xf32>,
    %swap3A_180 = vector.shape_cast %swap3A_179 : vector<1x16xf32> to vector<16xf32>
    %swap3A_181 = vector.shape_cast %broadcast_in_dim3A_2 : vector<16xf32> to vector<1x16xf32>
    tpu.vector_store %arg6[%swap3A_177, %swap3A_178], %swap3A_181 {strides = array<i32>} : memref<64x16xf32, #tpu.memory_space<vmem>>, vector<1x16xf32>,
    %swap3A_182 = arith.constant 15 : i32
    %swap3A_183 = arith.index_cast %swap3A_182 : i32 to index
    %swap3A_184 = arith.constant 0 : index
    %swap3A_185 = tpu.vector_load %arg5[%swap3A_183, %swap3A_184] {strides = array<i32>} : memref<64x16xf32, #tpu.memory_space<vmem>>, vector<1x16xf32>,
    %swap3A_186 = vector.shape_cast %swap3A_185 : vector<1x16xf32> to vector<16xf32>
    %swap3A_187 = vector.shape_cast %broadcast_in_dim3A_0 : vector<16xf32> to vector<1x16xf32>
    tpu.vector_store %arg5[%swap3A_183, %swap3A_184], %swap3A_187 {strides = array<i32>} : memref<64x16xf32, #tpu.memory_space<vmem>>, vector<1x16xf32>,
    %swap3A_188 = arith.constant 15 : i32
    %swap3A_189 = arith.index_cast %swap3A_188 : i32 to index
    %swap3A_190 = arith.constant 0 : index
    %swap3A_191 = tpu.vector_load %arg6[%swap3A_189, %swap3A_190] {strides = array<i32>} : memref<64x16xf32, #tpu.memory_space<vmem>>, vector<1x16xf32>,
    %swap3A_192 = vector.shape_cast %swap3A_191 : vector<1x16xf32> to vector<16xf32>
    %swap3A_193 = vector.shape_cast %broadcast_in_dim3A_2 : vector<16xf32> to vector<1x16xf32>
    tpu.vector_store %arg6[%swap3A_189, %swap3A_190], %swap3A_193 {strides = array<i32>} : memref<64x16xf32, #tpu.memory_space<vmem>>, vector<1x16xf32>,
    %swap3A_194 = arith.constant 16 : i32
    %swap3A_195 = arith.index_cast %swap3A_194 : i32 to index
    %swap3A_196 = arith.constant 0 : index
    %swap3A_197 = tpu.vector_load %arg5[%swap3A_195, %swap3A_196] {strides = array<i32>} : memref<64x16xf32, #tpu.memory_space<vmem>>, vector<1x16xf32>,
    %swap3A_198 = vector.shape_cast %swap3A_197 : vector<1x16xf32> to vector<16xf32>
    %swap3A_199 = vector.shape_cast %broadcast_in_dim3A_0 : vector<16xf32> to vector<1x16xf32>
    tpu.vector_store %arg5[%swap3A_195, %swap3A_196], %swap3A_199 {strides = array<i32>} : memref<64x16xf32, #tpu.memory_space<vmem>>, vector<1x16xf32>,
    %swap3A_200 = arith.constant 16 : i32
    %swap3A_201 = arith.index_cast %swap3A_200 : i32 to index
    %swap3A_202 = arith.constant 0 : index
    %swap3A_203 = tpu.vector_load %arg6[%swap3A_201, %swap3A_202] {strides = array<i32>} : memref<64x16xf32, #tpu.memory_space<vmem>>, vector<1x16xf32>,
    %swap3A_204 = vector.shape_cast %swap3A_203 : vector<1x16xf32> to vector<16xf32>
    %swap3A_205 = vector.shape_cast %broadcast_in_dim3A_2 : vector<16xf32> to vector<1x16xf32>
    tpu.vector_store %arg6[%swap3A_201, %swap3A_202], %swap3A_205 {strides = array<i32>} : memref<64x16xf32, #tpu.memory_space<vmem>>, vector<1x16xf32>,
    %swap3A_206 = arith.constant 17 : i32
    %swap3A_207 = arith.index_cast %swap3A_206 : i32 to index
    %swap3A_208 = arith.constant 0 : index
    %swap3A_209 = tpu.vector_load %arg5[%swap3A_207, %swap3A_208] {strides = array<i32>} : memref<64x16xf32, #tpu.memory_space<vmem>>, vector<1x16xf32>,
    %swap3A_210 = vector.shape_cast %swap3A_209 : vector<1x16xf32> to vector<16xf32>
    %swap3A_211 = vector.shape_cast %broadcast_in_dim3A_0 : vector<16xf32> to vector<1x16xf32>
    tpu.vector_store %arg5[%swap3A_207, %swap3A_208], %swap3A_211 {strides = array<i32>} : memref<64x16xf32, #tpu.memory_space<vmem>>, vector<1x16xf32>,
    %swap3A_212 = arith.constant 17 : i32
    %swap3A_213 = arith.index_cast %swap3A_212 : i32 to index
    %swap3A_214 = arith.constant 0 : index
    %swap3A_215 = tpu.vector_load %arg6[%swap3A_213, %swap3A_214] {strides = array<i32>} : memref<64x16xf32, #tpu.memory_space<vmem>>, vector<1x16xf32>,
    %swap3A_216 = vector.shape_cast %swap3A_215 : vector<1x16xf32> to vector<16xf32>
    %swap3A_217 = vector.shape_cast %broadcast_in_dim3A_2 : vector<16xf32> to vector<1x16xf32>
    tpu.vector_store %arg6[%swap3A_213, %swap3A_214], %swap3A_217 {strides = array<i32>} : memref<64x16xf32, #tpu.memory_space<vmem>>, vector<1x16xf32>,
    %swap3A_218 = arith.constant 18 : i32
    %swap3A_219 = arith.index_cast %swap3A_218 : i32 to index
    %swap3A_220 = arith.constant 0 : index
    %swap3A_221 = tpu.vector_load %arg5[%swap3A_219, %swap3A_220] {strides = array<i32>} : memref<64x16xf32, #tpu.memory_space<vmem>>, vector<1x16xf32>,
    %swap3A_222 = vector.shape_cast %swap3A_221 : vector<1x16xf32> to vector<16xf32>
    %swap3A_223 = vector.shape_cast %broadcast_in_dim3A_0 : vector<16xf32> to vector<1x16xf32>
    tpu.vector_store %arg5[%swap3A_219, %swap3A_220], %swap3A_223 {strides = array<i32>} : memref<64x16xf32, #tpu.memory_space<vmem>>, vector<1x16xf32>,
    %swap3A_224 = arith.constant 18 : i32
    %swap3A_225 = arith.index_cast %swap3A_224 : i32 to index
    %swap3A_226 = arith.constant 0 : index
    %swap3A_227 = tpu.vector_load %arg6[%swap3A_225, %swap3A_226] {strides = array<i32>} : memref<64x16xf32, #tpu.memory_space<vmem>>, vector<1x16xf32>,
    %swap3A_228 = vector.shape_cast %swap3A_227 : vector<1x16xf32> to vector<16xf32>
    %swap3A_229 = vector.shape_cast %broadcast_in_dim3A_2 : vector<16xf32> to vector<1x16xf32>
    tpu.vector_store %arg6[%swap3A_225, %swap3A_226], %swap3A_229 {strides = array<i32>} : memref<64x16xf32, #tpu.memory_space<vmem>>, vector<1x16xf32>,
    %swap3A_230 = arith.constant 19 : i32
    %swap3A_231 = arith.index_cast %swap3A_230 : i32 to index
    %swap3A_232 = arith.constant 0 : index
    %swap3A_233 = tpu.vector_load %arg5[%swap3A_231, %swap3A_232] {strides = array<i32>} : memref<64x16xf32, #tpu.memory_space<vmem>>, vector<1x16xf32>,
    %swap3A_234 = vector.shape_cast %swap3A_233 : vector<1x16xf32> to vector<16xf32>
    %swap3A_235 = vector.shape_cast %broadcast_in_dim3A_0 : vector<16xf32> to vector<1x16xf32>
    tpu.vector_store %arg5[%swap3A_231, %swap3A_232], %swap3A_235 {strides = array<i32>} : memref<64x16xf32, #tpu.memory_space<vmem>>, vector<1x16xf32>,
    %swap3A_236 = arith.constant 19 : i32
    %swap3A_237 = arith.index_cast %swap3A_236 : i32 to index
    %swap3A_238 = arith.constant 0 : index
    %swap3A_239 = tpu.vector_load %arg6[%swap3A_237, %swap3A_238] {strides = array<i32>} : memref<64x16xf32, #tpu.memory_space<vmem>>, vector<1x16xf32>,
    %swap3A_240 = vector.shape_cast %swap3A_239 : vector<1x16xf32> to vector<16xf32>
    %swap3A_241 = vector.shape_cast %broadcast_in_dim3A_2 : vector<16xf32> to vector<1x16xf32>
    tpu.vector_store %arg6[%swap3A_237, %swap3A_238], %swap3A_241 {strides = array<i32>} : memref<64x16xf32, #tpu.memory_space<vmem>>, vector<1x16xf32>,
    %swap3A_242 = arith.constant 20 : i32
    %swap3A_243 = arith.index_cast %swap3A_242 : i32 to index
    %swap3A_244 = arith.constant 0 : index
    %swap3A_245 = tpu.vector_load %arg5[%swap3A_243, %swap3A_244] {strides = array<i32>} : memref<64x16xf32, #tpu.memory_space<vmem>>, vector<1x16xf32>,
    %swap3A_246 = vector.shape_cast %swap3A_245 : vector<1x16xf32> to vector<16xf32>
    %swap3A_247 = vector.shape_cast %broadcast_in_dim3A_0 : vector<16xf32> to vector<1x16xf32>
    tpu.vector_store %arg5[%swap3A_243, %swap3A_244], %swap3A_247 {strides = array<i32>} : memref<64x16xf32, #tpu.memory_space<vmem>>, vector<1x16xf32>,
    %swap3A_248 = arith.constant 20 : i32
    %swap3A_249 = arith.index_cast %swap3A_248 : i32 to index
    %swap3A_250 = arith.constant 0 : index
    %swap3A_251 = tpu.vector_load %arg6[%swap3A_249, %swap3A_250] {strides = array<i32>} : memref<64x16xf32, #tpu.memory_space<vmem>>, vector<1x16xf32>,
    %swap3A_252 = vector.shape_cast %swap3A_251 : vector<1x16xf32> to vector<16xf32>
    %swap3A_253 = vector.shape_cast %broadcast_in_dim3A_2 : vector<16xf32> to vector<1x16xf32>
    tpu.vector_store %arg6[%swap3A_249, %swap3A_250], %swap3A_253 {strides = array<i32>} : memref<64x16xf32, #tpu.memory_space<vmem>>, vector<1x16xf32>,
    %swap3A_254 = arith.constant 21 : i32
    %swap3A_255 = arith.index_cast %swap3A_254 : i32 to index
    %swap3A_256 = arith.constant 0 : index
    %swap3A_257 = tpu.vector_load %arg5[%swap3A_255, %swap3A_256] {strides = array<i32>} : memref<64x16xf32, #tpu.memory_space<vmem>>, vector<1x16xf32>,
    %swap3A_258 = vector.shape_cast %swap3A_257 : vector<1x16xf32> to vector<16xf32>
    %swap3A_259 = vector.shape_cast %broadcast_in_dim3A_0 : vector<16xf32> to vector<1x16xf32>
    tpu.vector_store %arg5[%swap3A_255, %swap3A_256], %swap3A_259 {strides = array<i32>} : memref<64x16xf32, #tpu.memory_space<vmem>>, vector<1x16xf32>,
    %swap3A_260 = arith.constant 21 : i32
    %swap3A_261 = arith.index_cast %swap3A_260 : i32 to index
    %swap3A_262 = arith.constant 0 : index
    %swap3A_263 = tpu.vector_load %arg6[%swap3A_261, %swap3A_262] {strides = array<i32>} : memref<64x16xf32, #tpu.memory_space<vmem>>, vector<1x16xf32>,
    %swap3A_264 = vector.shape_cast %swap3A_263 : vector<1x16xf32> to vector<16xf32>
    %swap3A_265 = vector.shape_cast %broadcast_in_dim3A_2 : vector<16xf32> to vector<1x16xf32>
    tpu.vector_store %arg6[%swap3A_261, %swap3A_262], %swap3A_265 {strides = array<i32>} : memref<64x16xf32, #tpu.memory_space<vmem>>, vector<1x16xf32>,
    %swap3A_266 = arith.constant 22 : i32
    %swap3A_267 = arith.index_cast %swap3A_266 : i32 to index
    %swap3A_268 = arith.constant 0 : index
    %swap3A_269 = tpu.vector_load %arg5[%swap3A_267, %swap3A_268] {strides = array<i32>} : memref<64x16xf32, #tpu.memory_space<vmem>>, vector<1x16xf32>,
    %swap3A_270 = vector.shape_cast %swap3A_269 : vector<1x16xf32> to vector<16xf32>
    %swap3A_271 = vector.shape_cast %broadcast_in_dim3A_0 : vector<16xf32> to vector<1x16xf32>
    tpu.vector_store %arg5[%swap3A_267, %swap3A_268], %swap3A_271 {strides = array<i32>} : memref<64x16xf32, #tpu.memory_space<vmem>>, vector<1x16xf32>,
    %swap3A_272 = arith.constant 22 : i32
    %swap3A_273 = arith.index_cast %swap3A_272 : i32 to index
    %swap3A_274 = arith.constant 0 : index
    %swap3A_275 = tpu.vector_load %arg6[%swap3A_273, %swap3A_274] {strides = array<i32>} : memref<64x16xf32, #tpu.memory_space<vmem>>, vector<1x16xf32>,
    %swap3A_276 = vector.shape_cast %swap3A_275 : vector<1x16xf32> to vector<16xf32>
    %swap3A_277 = vector.shape_cast %broadcast_in_dim3A_2 : vector<16xf32> to vector<1x16xf32>
    tpu.vector_store %arg6[%swap3A_273, %swap3A_274], %swap3A_277 {strides = array<i32>} : memref<64x16xf32, #tpu.memory_space<vmem>>, vector<1x16xf32>,
    %swap3A_278 = arith.constant 23 : i32
    %swap3A_279 = arith.index_cast %swap3A_278 : i32 to index
    %swap3A_280 = arith.constant 0 : index
    %swap3A_281 = tpu.vector_load %arg5[%swap3A_279, %swap3A_280] {strides = array<i32>} : memref<64x16xf32, #tpu.memory_space<vmem>>, vector<1x16xf32>,
    %swap3A_282 = vector.shape_cast %swap3A_281 : vector<1x16xf32> to vector<16xf32>
    %swap3A_283 = vector.shape_cast %broadcast_in_dim3A_0 : vector<16xf32> to vector<1x16xf32>
    tpu.vector_store %arg5[%swap3A_279, %swap3A_280], %swap3A_283 {strides = array<i32>} : memref<64x16xf32, #tpu.memory_space<vmem>>, vector<1x16xf32>,
    %swap3A_284 = arith.constant 23 : i32
    %swap3A_285 = arith.index_cast %swap3A_284 : i32 to index
    %swap3A_286 = arith.constant 0 : index
    %swap3A_287 = tpu.vector_load %arg6[%swap3A_285, %swap3A_286] {strides = array<i32>} : memref<64x16xf32, #tpu.memory_space<vmem>>, vector<1x16xf32>,
    %swap3A_288 = vector.shape_cast %swap3A_287 : vector<1x16xf32> to vector<16xf32>
    %swap3A_289 = vector.shape_cast %broadcast_in_dim3A_2 : vector<16xf32> to vector<1x16xf32>
    tpu.vector_store %arg6[%swap3A_285, %swap3A_286], %swap3A_289 {strides = array<i32>} : memref<64x16xf32, #tpu.memory_space<vmem>>, vector<1x16xf32>,
    %swap3A_290 = arith.constant 24 : i32
    %swap3A_291 = arith.index_cast %swap3A_290 : i32 to index
    %swap3A_292 = arith.constant 0 : index
    %swap3A_293 = tpu.vector_load %arg5[%swap3A_291, %swap3A_292] {strides = array<i32>} : memref<64x16xf32, #tpu.memory_space<vmem>>, vector<1x16xf32>,
    %swap3A_294 = vector.shape_cast %swap3A_293 : vector<1x16xf32> to vector<16xf32>
    %swap3A_295 = vector.shape_cast %broadcast_in_dim3A_0 : vector<16xf32> to vector<1x16xf32>
    tpu.vector_store %arg5[%swap3A_291, %swap3A_292], %swap3A_295 {strides = array<i32>} : memref<64x16xf32, #tpu.memory_space<vmem>>, vector<1x16xf32>,
    %swap3A_296 = arith.constant 24 : i32
    %swap3A_297 = arith.index_cast %swap3A_296 : i32 to index
    %swap3A_298 = arith.constant 0 : index
    %swap3A_299 = tpu.vector_load %arg6[%swap3A_297, %swap3A_298] {strides = array<i32>} : memref<64x16xf32, #tpu.memory_space<vmem>>, vector<1x16xf32>,
    %swap3A_300 = vector.shape_cast %swap3A_299 : vector<1x16xf32> to vector<16xf32>
    %swap3A_301 = vector.shape_cast %broadcast_in_dim3A_2 : vector<16xf32> to vector<1x16xf32>
    tpu.vector_store %arg6[%swap3A_297, %swap3A_298], %swap3A_301 {strides = array<i32>} : memref<64x16xf32, #tpu.memory_space<vmem>>, vector<1x16xf32>,
    %swap3A_302 = arith.constant 25 : i32
    %swap3A_303 = arith.index_cast %swap3A_302 : i32 to index
    %swap3A_304 = arith.constant 0 : index
    %swap3A_305 = tpu.vector_load %arg5[%swap3A_303, %swap3A_304] {strides = array<i32>} : memref<64x16xf32, #tpu.memory_space<vmem>>, vector<1x16xf32>,
    %swap3A_306 = vector.shape_cast %swap3A_305 : vector<1x16xf32> to vector<16xf32>
    %swap3A_307 = vector.shape_cast %broadcast_in_dim3A_0 : vector<16xf32> to vector<1x16xf32>
    tpu.vector_store %arg5[%swap3A_303, %swap3A_304], %swap3A_307 {strides = array<i32>} : memref<64x16xf32, #tpu.memory_space<vmem>>, vector<1x16xf32>,
    %swap3A_308 = arith.constant 25 : i32
    %swap3A_309 = arith.index_cast %swap3A_308 : i32 to index
    %swap3A_310 = arith.constant 0 : index
    %swap3A_311 = tpu.vector_load %arg6[%swap3A_309, %swap3A_310] {strides = array<i32>} : memref<64x16xf32, #tpu.memory_space<vmem>>, vector<1x16xf32>,
    %swap3A_312 = vector.shape_cast %swap3A_311 : vector<1x16xf32> to vector<16xf32>
    %swap3A_313 = vector.shape_cast %broadcast_in_dim3A_2 : vector<16xf32> to vector<1x16xf32>
    tpu.vector_store %arg6[%swap3A_309, %swap3A_310], %swap3A_313 {strides = array<i32>} : memref<64x16xf32, #tpu.memory_space<vmem>>, vector<1x16xf32>,
    %swap3A_314 = arith.constant 26 : i32
    %swap3A_315 = arith.index_cast %swap3A_314 : i32 to index
    %swap3A_316 = arith.constant 0 : index
    %swap3A_317 = tpu.vector_load %arg5[%swap3A_315, %swap3A_316] {strides = array<i32>} : memref<64x16xf32, #tpu.memory_space<vmem>>, vector<1x16xf32>,
    %swap3A_318 = vector.shape_cast %swap3A_317 : vector<1x16xf32> to vector<16xf32>
    %swap3A_319 = vector.shape_cast %broadcast_in_dim3A_0 : vector<16xf32> to vector<1x16xf32>
    tpu.vector_store %arg5[%swap3A_315, %swap3A_316], %swap3A_319 {strides = array<i32>} : memref<64x16xf32, #tpu.memory_space<vmem>>, vector<1x16xf32>,
    %swap3A_320 = arith.constant 26 : i32
    %swap3A_321 = arith.index_cast %swap3A_320 : i32 to index
    %swap3A_322 = arith.constant 0 : index
    %swap3A_323 = tpu.vector_load %arg6[%swap3A_321, %swap3A_322] {strides = array<i32>} : memref<64x16xf32, #tpu.memory_space<vmem>>, vector<1x16xf32>,
    %swap3A_324 = vector.shape_cast %swap3A_323 : vector<1x16xf32> to vector<16xf32>
    %swap3A_325 = vector.shape_cast %broadcast_in_dim3A_2 : vector<16xf32> to vector<1x16xf32>
    tpu.vector_store %arg6[%swap3A_321, %swap3A_322], %swap3A_325 {strides = array<i32>} : memref<64x16xf32, #tpu.memory_space<vmem>>, vector<1x16xf32>,
    %swap3A_326 = arith.constant 27 : i32
    %swap3A_327 = arith.index_cast %swap3A_326 : i32 to index
    %swap3A_328 = arith.constant 0 : index
    %swap3A_329 = tpu.vector_load %arg5[%swap3A_327, %swap3A_328] {strides = array<i32>} : memref<64x16xf32, #tpu.memory_space<vmem>>, vector<1x16xf32>,
    %swap3A_330 = vector.shape_cast %swap3A_329 : vector<1x16xf32> to vector<16xf32>
    %swap3A_331 = vector.shape_cast %broadcast_in_dim3A_0 : vector<16xf32> to vector<1x16xf32>
    tpu.vector_store %arg5[%swap3A_327, %swap3A_328], %swap3A_331 {strides = array<i32>} : memref<64x16xf32, #tpu.memory_space<vmem>>, vector<1x16xf32>,
    %swap3A_332 = arith.constant 27 : i32
    %swap3A_333 = arith.index_cast %swap3A_332 : i32 to index
    %swap3A_334 = arith.constant 0 : index
    %swap3A_335 = tpu.vector_load %arg6[%swap3A_333, %swap3A_334] {strides = array<i32>} : memref<64x16xf32, #tpu.memory_space<vmem>>, vector<1x16xf32>,
    %swap3A_336 = vector.shape_cast %swap3A_335 : vector<1x16xf32> to vector<16xf32>
    %swap3A_337 = vector.shape_cast %broadcast_in_dim3A_2 : vector<16xf32> to vector<1x16xf32>
    tpu.vector_store %arg6[%swap3A_333, %swap3A_334], %swap3A_337 {strides = array<i32>} : memref<64x16xf32, #tpu.memory_space<vmem>>, vector<1x16xf32>,
    %swap3A_338 = arith.constant 28 : i32
    %swap3A_339 = arith.index_cast %swap3A_338 : i32 to index
    %swap3A_340 = arith.constant 0 : index
    %swap3A_341 = tpu.vector_load %arg5[%swap3A_339, %swap3A_340] {strides = array<i32>} : memref<64x16xf32, #tpu.memory_space<vmem>>, vector<1x16xf32>,
    %swap3A_342 = vector.shape_cast %swap3A_341 : vector<1x16xf32> to vector<16xf32>
    %swap3A_343 = vector.shape_cast %broadcast_in_dim3A_0 : vector<16xf32> to vector<1x16xf32>
    tpu.vector_store %arg5[%swap3A_339, %swap3A_340], %swap3A_343 {strides = array<i32>} : memref<64x16xf32, #tpu.memory_space<vmem>>, vector<1x16xf32>,
    %swap3A_344 = arith.constant 28 : i32
    %swap3A_345 = arith.index_cast %swap3A_344 : i32 to index
    %swap3A_346 = arith.constant 0 : index
    %swap3A_347 = tpu.vector_load %arg6[%swap3A_345, %swap3A_346] {strides = array<i32>} : memref<64x16xf32, #tpu.memory_space<vmem>>, vector<1x16xf32>,
    %swap3A_348 = vector.shape_cast %swap3A_347 : vector<1x16xf32> to vector<16xf32>
    %swap3A_349 = vector.shape_cast %broadcast_in_dim3A_2 : vector<16xf32> to vector<1x16xf32>
    tpu.vector_store %arg6[%swap3A_345, %swap3A_346], %swap3A_349 {strides = array<i32>} : memref<64x16xf32, #tpu.memory_space<vmem>>, vector<1x16xf32>,
    %swap3A_350 = arith.constant 29 : i32
    %swap3A_351 = arith.index_cast %swap3A_350 : i32 to index
    %swap3A_352 = arith.constant 0 : index
    %swap3A_353 = tpu.vector_load %arg5[%swap3A_351, %swap3A_352] {strides = array<i32>} : memref<64x16xf32, #tpu.memory_space<vmem>>, vector<1x16xf32>,
    %swap3A_354 = vector.shape_cast %swap3A_353 : vector<1x16xf32> to vector<16xf32>
    %swap3A_355 = vector.shape_cast %broadcast_in_dim3A_0 : vector<16xf32> to vector<1x16xf32>
    tpu.vector_store %arg5[%swap3A_351, %swap3A_352], %swap3A_355 {strides = array<i32>} : memref<64x16xf32, #tpu.memory_space<vmem>>, vector<1x16xf32>,
    %swap3A_356 = arith.constant 29 : i32
    %swap3A_357 = arith.index_cast %swap3A_356 : i32 to index
    %swap3A_358 = arith.constant 0 : index
    %swap3A_359 = tpu.vector_load %arg6[%swap3A_357, %swap3A_358] {strides = array<i32>} : memref<64x16xf32, #tpu.memory_space<vmem>>, vector<1x16xf32>,
    %swap3A_360 = vector.shape_cast %swap3A_359 : vector<1x16xf32> to vector<16xf32>
    %swap3A_361 = vector.shape_cast %broadcast_in_dim3A_2 : vector<16xf32> to vector<1x16xf32>
    tpu.vector_store %arg6[%swap3A_357, %swap3A_358], %swap3A_361 {strides = array<i32>} : memref<64x16xf32, #tpu.memory_space<vmem>>, vector<1x16xf32>,
    %swap3A_362 = arith.constant 30 : i32
    %swap3A_363 = arith.index_cast %swap3A_362 : i32 to index
    %swap3A_364 = arith.constant 0 : index
    %swap3A_365 = tpu.vector_load %arg5[%swap3A_363, %swap3A_364] {strides = array<i32>} : memref<64x16xf32, #tpu.memory_space<vmem>>, vector<1x16xf32>,
    %swap3A_366 = vector.shape_cast %swap3A_365 : vector<1x16xf32> to vector<16xf32>
    %swap3A_367 = vector.shape_cast %broadcast_in_dim3A_0 : vector<16xf32> to vector<1x16xf32>
    tpu.vector_store %arg5[%swap3A_363, %swap3A_364], %swap3A_367 {strides = array<i32>} : memref<64x16xf32, #tpu.memory_space<vmem>>, vector<1x16xf32>,
    %swap3A_368 = arith.constant 30 : i32
    %swap3A_369 = arith.index_cast %swap3A_368 : i32 to index
    %swap3A_370 = arith.constant 0 : index
    %swap3A_371 = tpu.vector_load %arg6[%swap3A_369, %swap3A_370] {strides = array<i32>} : memref<64x16xf32, #tpu.memory_space<vmem>>, vector<1x16xf32>,
    %swap3A_372 = vector.shape_cast %swap3A_371 : vector<1x16xf32> to vector<16xf32>
    %swap3A_373 = vector.shape_cast %broadcast_in_dim3A_2 : vector<16xf32> to vector<1x16xf32>
    tpu.vector_store %arg6[%swap3A_369, %swap3A_370], %swap3A_373 {strides = array<i32>} : memref<64x16xf32, #tpu.memory_space<vmem>>, vector<1x16xf32>,
    %swap3A_374 = arith.constant 31 : i32
    %swap3A_375 = arith.index_cast %swap3A_374 : i32 to index
    %swap3A_376 = arith.constant 0 : index
    %swap3A_377 = tpu.vector_load %arg5[%swap3A_375, %swap3A_376] {strides = array<i32>} : memref<64x16xf32, #tpu.memory_space<vmem>>, vector<1x16xf32>,
    %swap3A_378 = vector.shape_cast %swap3A_377 : vector<1x16xf32> to vector<16xf32>
    %swap3A_379 = vector.shape_cast %broadcast_in_dim3A_0 : vector<16xf32> to vector<1x16xf32>
    tpu.vector_store %arg5[%swap3A_375, %swap3A_376], %swap3A_379 {strides = array<i32>} : memref<64x16xf32, #tpu.memory_space<vmem>>, vector<1x16xf32>,
    %swap3A_380 = arith.constant 31 : i32
    %swap3A_381 = arith.index_cast %swap3A_380 : i32 to index
    %swap3A_382 = arith.constant 0 : index
    %swap3A_383 = tpu.vector_load %arg6[%swap3A_381, %swap3A_382] {strides = array<i32>} : memref<64x16xf32, #tpu.memory_space<vmem>>, vector<1x16xf32>,
    %swap3A_384 = vector.shape_cast %swap3A_383 : vector<1x16xf32> to vector<16xf32>
    %swap3A_385 = vector.shape_cast %broadcast_in_dim3A_2 : vector<16xf32> to vector<1x16xf32>
    tpu.vector_store %arg6[%swap3A_381, %swap3A_382], %swap3A_385 {strides = array<i32>} : memref<64x16xf32, #tpu.memory_space<vmem>>, vector<1x16xf32>,
    %swap3A_386 = arith.constant 32 : i32
    %swap3A_387 = arith.index_cast %swap3A_386 : i32 to index
    %swap3A_388 = arith.constant 0 : index
    %swap3A_389 = tpu.vector_load %arg5[%swap3A_387, %swap3A_388] {strides = array<i32>} : memref<64x16xf32, #tpu.memory_space<vmem>>, vector<1x16xf32>,
    %swap3A_390 = vector.shape_cast %swap3A_389 : vector<1x16xf32> to vector<16xf32>
    %swap3A_391 = vector.shape_cast %broadcast_in_dim3A_0 : vector<16xf32> to vector<1x16xf32>
    tpu.vector_store %arg5[%swap3A_387, %swap3A_388], %swap3A_391 {strides = array<i32>} : memref<64x16xf32, #tpu.memory_space<vmem>>, vector<1x16xf32>,
    %swap3A_392 = arith.constant 32 : i32
    %swap3A_393 = arith.index_cast %swap3A_392 : i32 to index
    %swap3A_394 = arith.constant 0 : index
    %swap3A_395 = tpu.vector_load %arg6[%swap3A_393, %swap3A_394] {strides = array<i32>} : memref<64x16xf32, #tpu.memory_space<vmem>>, vector<1x16xf32>,
    %swap3A_396 = vector.shape_cast %swap3A_395 : vector<1x16xf32> to vector<16xf32>
    %swap3A_397 = vector.shape_cast %broadcast_in_dim3A_2 : vector<16xf32> to vector<1x16xf32>
    tpu.vector_store %arg6[%swap3A_393, %swap3A_394], %swap3A_397 {strides = array<i32>} : memref<64x16xf32, #tpu.memory_space<vmem>>, vector<1x16xf32>,
    %swap3A_398 = arith.constant 33 : i32
    %swap3A_399 = arith.index_cast %swap3A_398 : i32 to index
    %swap3A_400 = arith.constant 0 : index
    %swap3A_401 = tpu.vector_load %arg5[%swap3A_399, %swap3A_400] {strides = array<i32>} : memref<64x16xf32, #tpu.memory_space<vmem>>, vector<1x16xf32>,
    %swap3A_402 = vector.shape_cast %swap3A_401 : vector<1x16xf32> to vector<16xf32>
    %swap3A_403 = vector.shape_cast %broadcast_in_dim3A_0 : vector<16xf32> to vector<1x16xf32>
    tpu.vector_store %arg5[%swap3A_399, %swap3A_400], %swap3A_403 {strides = array<i32>} : memref<64x16xf32, #tpu.memory_space<vmem>>, vector<1x16xf32>,
    %swap3A_404 = arith.constant 33 : i32
    %swap3A_405 = arith.index_cast %swap3A_404 : i32 to index
    %swap3A_406 = arith.constant 0 : index
    %swap3A_407 = tpu.vector_load %arg6[%swap3A_405, %swap3A_406] {strides = array<i32>} : memref<64x16xf32, #tpu.memory_space<vmem>>, vector<1x16xf32>,
    %swap3A_408 = vector.shape_cast %swap3A_407 : vector<1x16xf32> to vector<16xf32>
    %swap3A_409 = vector.shape_cast %broadcast_in_dim3A_2 : vector<16xf32> to vector<1x16xf32>
    tpu.vector_store %arg6[%swap3A_405, %swap3A_406], %swap3A_409 {strides = array<i32>} : memref<64x16xf32, #tpu.memory_space<vmem>>, vector<1x16xf32>,
    %swap3A_410 = arith.constant 34 : i32
    %swap3A_411 = arith.index_cast %swap3A_410 : i32 to index
    %swap3A_412 = arith.constant 0 : index
    %swap3A_413 = tpu.vector_load %arg5[%swap3A_411, %swap3A_412] {strides = array<i32>} : memref<64x16xf32, #tpu.memory_space<vmem>>, vector<1x16xf32>,
    %swap3A_414 = vector.shape_cast %swap3A_413 : vector<1x16xf32> to vector<16xf32>
    %swap3A_415 = vector.shape_cast %broadcast_in_dim3A_0 : vector<16xf32> to vector<1x16xf32>
    tpu.vector_store %arg5[%swap3A_411, %swap3A_412], %swap3A_415 {strides = array<i32>} : memref<64x16xf32, #tpu.memory_space<vmem>>, vector<1x16xf32>,
    %swap3A_416 = arith.constant 34 : i32
    %swap3A_417 = arith.index_cast %swap3A_416 : i32 to index
    %swap3A_418 = arith.constant 0 : index
    %swap3A_419 = tpu.vector_load %arg6[%swap3A_417, %swap3A_418] {strides = array<i32>} : memref<64x16xf32, #tpu.memory_space<vmem>>, vector<1x16xf32>,
    %swap3A_420 = vector.shape_cast %swap3A_419 : vector<1x16xf32> to vector<16xf32>
    %swap3A_421 = vector.shape_cast %broadcast_in_dim3A_2 : vector<16xf32> to vector<1x16xf32>
    tpu.vector_store %arg6[%swap3A_417, %swap3A_418], %swap3A_421 {strides = array<i32>} : memref<64x16xf32, #tpu.memory_space<vmem>>, vector<1x16xf32>,
    %swap3A_422 = arith.constant 35 : i32
    %swap3A_423 = arith.index_cast %swap3A_422 : i32 to index
    %swap3A_424 = arith.constant 0 : index
    %swap3A_425 = tpu.vector_load %arg5[%swap3A_423, %swap3A_424] {strides = array<i32>} : memref<64x16xf32, #tpu.memory_space<vmem>>, vector<1x16xf32>,
    %swap3A_426 = vector.shape_cast %swap3A_425 : vector<1x16xf32> to vector<16xf32>
    %swap3A_427 = vector.shape_cast %broadcast_in_dim3A_0 : vector<16xf32> to vector<1x16xf32>
    tpu.vector_store %arg5[%swap3A_423, %swap3A_424], %swap3A_427 {strides = array<i32>} : memref<64x16xf32, #tpu.memory_space<vmem>>, vector<1x16xf32>,
    %swap3A_428 = arith.constant 35 : i32
    %swap3A_429 = arith.index_cast %swap3A_428 : i32 to index
    %swap3A_430 = arith.constant 0 : index
    %swap3A_431 = tpu.vector_load %arg6[%swap3A_429, %swap3A_430] {strides = array<i32>} : memref<64x16xf32, #tpu.memory_space<vmem>>, vector<1x16xf32>,
    %swap3A_432 = vector.shape_cast %swap3A_431 : vector<1x16xf32> to vector<16xf32>
    %swap3A_433 = vector.shape_cast %broadcast_in_dim3A_2 : vector<16xf32> to vector<1x16xf32>
    tpu.vector_store %arg6[%swap3A_429, %swap3A_430], %swap3A_433 {strides = array<i32>} : memref<64x16xf32, #tpu.memory_space<vmem>>, vector<1x16xf32>,
    %swap3A_434 = arith.constant 36 : i32
    %swap3A_435 = arith.index_cast %swap3A_434 : i32 to index
    %swap3A_436 = arith.constant 0 : index
    %swap3A_437 = tpu.vector_load %arg5[%swap3A_435, %swap3A_436] {strides = array<i32>} : memref<64x16xf32, #tpu.memory_space<vmem>>, vector<1x16xf32>,
    %swap3A_438 = vector.shape_cast %swap3A_437 : vector<1x16xf32> to vector<16xf32>
    %swap3A_439 = vector.shape_cast %broadcast_in_dim3A_0 : vector<16xf32> to vector<1x16xf32>
    tpu.vector_store %arg5[%swap3A_435, %swap3A_436], %swap3A_439 {strides = array<i32>} : memref<64x16xf32, #tpu.memory_space<vmem>>, vector<1x16xf32>,
    %swap3A_440 = arith.constant 36 : i32
    %swap3A_441 = arith.index_cast %swap3A_440 : i32 to index
    %swap3A_442 = arith.constant 0 : index
    %swap3A_443 = tpu.vector_load %arg6[%swap3A_441, %swap3A_442] {strides = array<i32>} : memref<64x16xf32, #tpu.memory_space<vmem>>, vector<1x16xf32>,
    %swap3A_444 = vector.shape_cast %swap3A_443 : vector<1x16xf32> to vector<16xf32>
    %swap3A_445 = vector.shape_cast %broadcast_in_dim3A_2 : vector<16xf32> to vector<1x16xf32>
    tpu.vector_store %arg6[%swap3A_441, %swap3A_442], %swap3A_445 {strides = array<i32>} : memref<64x16xf32, #tpu.memory_space<vmem>>, vector<1x16xf32>,
    %swap3A_446 = arith.constant 37 : i32
    %swap3A_447 = arith.index_cast %swap3A_446 : i32 to index
    %swap3A_448 = arith.constant 0 : index
    %swap3A_449 = tpu.vector_load %arg5[%swap3A_447, %swap3A_448] {strides = array<i32>} : memref<64x16xf32, #tpu.memory_space<vmem>>, vector<1x16xf32>,
    %swap3A_450 = vector.shape_cast %swap3A_449 : vector<1x16xf32> to vector<16xf32>
    %swap3A_451 = vector.shape_cast %broadcast_in_dim3A_0 : vector<16xf32> to vector<1x16xf32>
    tpu.vector_store %arg5[%swap3A_447, %swap3A_448], %swap3A_451 {strides = array<i32>} : memref<64x16xf32, #tpu.memory_space<vmem>>, vector<1x16xf32>,
    %swap3A_452 = arith.constant 37 : i32
    %swap3A_453 = arith.index_cast %swap3A_452 : i32 to index
    %swap3A_454 = arith.constant 0 : index
    %swap3A_455 = tpu.vector_load %arg6[%swap3A_453, %swap3A_454] {strides = array<i32>} : memref<64x16xf32, #tpu.memory_space<vmem>>, vector<1x16xf32>,
    %swap3A_456 = vector.shape_cast %swap3A_455 : vector<1x16xf32> to vector<16xf32>
    %swap3A_457 = vector.shape_cast %broadcast_in_dim3A_2 : vector<16xf32> to vector<1x16xf32>
    tpu.vector_store %arg6[%swap3A_453, %swap3A_454], %swap3A_457 {strides = array<i32>} : memref<64x16xf32, #tpu.memory_space<vmem>>, vector<1x16xf32>,
    %swap3A_458 = arith.constant 38 : i32
    %swap3A_459 = arith.index_cast %swap3A_458 : i32 to index
    %swap3A_460 = arith.constant 0 : index
    %swap3A_461 = tpu.vector_load %arg5[%swap3A_459, %swap3A_460] {strides = array<i32>} : memref<64x16xf32, #tpu.memory_space<vmem>>, vector<1x16xf32>,
    %swap3A_462 = vector.shape_cast %swap3A_461 : vector<1x16xf32> to vector<16xf32>
    %swap3A_463 = vector.shape_cast %broadcast_in_dim3A_0 : vector<16xf32> to vector<1x16xf32>
    tpu.vector_store %arg5[%swap3A_459, %swap3A_460], %swap3A_463 {strides = array<i32>} : memref<64x16xf32, #tpu.memory_space<vmem>>, vector<1x16xf32>,
    %swap3A_464 = arith.constant 38 : i32
    %swap3A_465 = arith.index_cast %swap3A_464 : i32 to index
    %swap3A_466 = arith.constant 0 : index
    %swap3A_467 = tpu.vector_load %arg6[%swap3A_465, %swap3A_466] {strides = array<i32>} : memref<64x16xf32, #tpu.memory_space<vmem>>, vector<1x16xf32>,
    %swap3A_468 = vector.shape_cast %swap3A_467 : vector<1x16xf32> to vector<16xf32>
    %swap3A_469 = vector.shape_cast %broadcast_in_dim3A_2 : vector<16xf32> to vector<1x16xf32>
    tpu.vector_store %arg6[%swap3A_465, %swap3A_466], %swap3A_469 {strides = array<i32>} : memref<64x16xf32, #tpu.memory_space<vmem>>, vector<1x16xf32>,
    %swap3A_470 = arith.constant 39 : i32
    %swap3A_471 = arith.index_cast %swap3A_470 : i32 to index
    %swap3A_472 = arith.constant 0 : index
    %swap3A_473 = tpu.vector_load %arg5[%swap3A_471, %swap3A_472] {strides = array<i32>} : memref<64x16xf32, #tpu.memory_space<vmem>>, vector<1x16xf32>,
    %swap3A_474 = vector.shape_cast %swap3A_473 : vector<1x16xf32> to vector<16xf32>
    %swap3A_475 = vector.shape_cast %broadcast_in_dim3A_0 : vector<16xf32> to vector<1x16xf32>
    tpu.vector_store %arg5[%swap3A_471, %swap3A_472], %swap3A_475 {strides = array<i32>} : memref<64x16xf32, #tpu.memory_space<vmem>>, vector<1x16xf32>,
    %swap3A_476 = arith.constant 39 : i32
    %swap3A_477 = arith.index_cast %swap3A_476 : i32 to index
    %swap3A_478 = arith.constant 0 : index
    %swap3A_479 = tpu.vector_load %arg6[%swap3A_477, %swap3A_478] {strides = array<i32>} : memref<64x16xf32, #tpu.memory_space<vmem>>, vector<1x16xf32>,
    %swap3A_480 = vector.shape_cast %swap3A_479 : vector<1x16xf32> to vector<16xf32>
    %swap3A_481 = vector.shape_cast %broadcast_in_dim3A_2 : vector<16xf32> to vector<1x16xf32>
    tpu.vector_store %arg6[%swap3A_477, %swap3A_478], %swap3A_481 {strides = array<i32>} : memref<64x16xf32, #tpu.memory_space<vmem>>, vector<1x16xf32>,
    %swap3A_482 = arith.constant 40 : i32
    %swap3A_483 = arith.index_cast %swap3A_482 : i32 to index
    %swap3A_484 = arith.constant 0 : index
    %swap3A_485 = tpu.vector_load %arg5[%swap3A_483, %swap3A_484] {strides = array<i32>} : memref<64x16xf32, #tpu.memory_space<vmem>>, vector<1x16xf32>,
    %swap3A_486 = vector.shape_cast %swap3A_485 : vector<1x16xf32> to vector<16xf32>
    %swap3A_487 = vector.shape_cast %broadcast_in_dim3A_0 : vector<16xf32> to vector<1x16xf32>
    tpu.vector_store %arg5[%swap3A_483, %swap3A_484], %swap3A_487 {strides = array<i32>} : memref<64x16xf32, #tpu.memory_space<vmem>>, vector<1x16xf32>,
    %swap3A_488 = arith.constant 40 : i32
    %swap3A_489 = arith.index_cast %swap3A_488 : i32 to index
    %swap3A_490 = arith.constant 0 : index
    %swap3A_491 = tpu.vector_load %arg6[%swap3A_489, %swap3A_490] {strides = array<i32>} : memref<64x16xf32, #tpu.memory_space<vmem>>, vector<1x16xf32>,
    %swap3A_492 = vector.shape_cast %swap3A_491 : vector<1x16xf32> to vector<16xf32>
    %swap3A_493 = vector.shape_cast %broadcast_in_dim3A_2 : vector<16xf32> to vector<1x16xf32>
    tpu.vector_store %arg6[%swap3A_489, %swap3A_490], %swap3A_493 {strides = array<i32>} : memref<64x16xf32, #tpu.memory_space<vmem>>, vector<1x16xf32>,
    %swap3A_494 = arith.constant 41 : i32
    %swap3A_495 = arith.index_cast %swap3A_494 : i32 to index
    %swap3A_496 = arith.constant 0 : index
    %swap3A_497 = tpu.vector_load %arg5[%swap3A_495, %swap3A_496] {strides = array<i32>} : memref<64x16xf32, #tpu.memory_space<vmem>>, vector<1x16xf32>,
    %swap3A_498 = vector.shape_cast %swap3A_497 : vector<1x16xf32> to vector<16xf32>
    %swap3A_499 = vector.shape_cast %broadcast_in_dim3A_0 : vector<16xf32> to vector<1x16xf32>
    tpu.vector_store %arg5[%swap3A_495, %swap3A_496], %swap3A_499 {strides = array<i32>} : memref<64x16xf32, #tpu.memory_space<vmem>>, vector<1x16xf32>,
    %swap3A_500 = arith.constant 41 : i32
    %swap3A_501 = arith.index_cast %swap3A_500 : i32 to index
    %swap3A_502 = arith.constant 0 : index
    %swap3A_503 = tpu.vector_load %arg6[%swap3A_501, %swap3A_502] {strides = array<i32>} : memref<64x16xf32, #tpu.memory_space<vmem>>, vector<1x16xf32>,
    %swap3A_504 = vector.shape_cast %swap3A_503 : vector<1x16xf32> to vector<16xf32>
    %swap3A_505 = vector.shape_cast %broadcast_in_dim3A_2 : vector<16xf32> to vector<1x16xf32>
    tpu.vector_store %arg6[%swap3A_501, %swap3A_502], %swap3A_505 {strides = array<i32>} : memref<64x16xf32, #tpu.memory_space<vmem>>, vector<1x16xf32>,
    %swap3A_506 = arith.constant 42 : i32
    %swap3A_507 = arith.index_cast %swap3A_506 : i32 to index
    %swap3A_508 = arith.constant 0 : index
    %swap3A_509 = tpu.vector_load %arg5[%swap3A_507, %swap3A_508] {strides = array<i32>} : memref<64x16xf32, #tpu.memory_space<vmem>>, vector<1x16xf32>,
    %swap3A_510 = vector.shape_cast %swap3A_509 : vector<1x16xf32> to vector<16xf32>
    %swap3A_511 = vector.shape_cast %broadcast_in_dim3A_0 : vector<16xf32> to vector<1x16xf32>
    tpu.vector_store %arg5[%swap3A_507, %swap3A_508], %swap3A_511 {strides = array<i32>} : memref<64x16xf32, #tpu.memory_space<vmem>>, vector<1x16xf32>,
    %swap3A_512 = arith.constant 42 : i32
    %swap3A_513 = arith.index_cast %swap3A_512 : i32 to index
    %swap3A_514 = arith.constant 0 : index
    %swap3A_515 = tpu.vector_load %arg6[%swap3A_513, %swap3A_514] {strides = array<i32>} : memref<64x16xf32, #tpu.memory_space<vmem>>, vector<1x16xf32>,
    %swap3A_516 = vector.shape_cast %swap3A_515 : vector<1x16xf32> to vector<16xf32>
    %swap3A_517 = vector.shape_cast %broadcast_in_dim3A_2 : vector<16xf32> to vector<1x16xf32>
    tpu.vector_store %arg6[%swap3A_513, %swap3A_514], %swap3A_517 {strides = array<i32>} : memref<64x16xf32, #tpu.memory_space<vmem>>, vector<1x16xf32>,
    %swap3A_518 = arith.constant 43 : i32
    %swap3A_519 = arith.index_cast %swap3A_518 : i32 to index
    %swap3A_520 = arith.constant 0 : index
    %swap3A_521 = tpu.vector_load %arg5[%swap3A_519, %swap3A_520] {strides = array<i32>} : memref<64x16xf32, #tpu.memory_space<vmem>>, vector<1x16xf32>,
    %swap3A_522 = vector.shape_cast %swap3A_521 : vector<1x16xf32> to vector<16xf32>
    %swap3A_523 = vector.shape_cast %broadcast_in_dim3A_0 : vector<16xf32> to vector<1x16xf32>
    tpu.vector_store %arg5[%swap3A_519, %swap3A_520], %swap3A_523 {strides = array<i32>} : memref<64x16xf32, #tpu.memory_space<vmem>>, vector<1x16xf32>,
    %swap3A_524 = arith.constant 43 : i32
    %swap3A_525 = arith.index_cast %swap3A_524 : i32 to index
    %swap3A_526 = arith.constant 0 : index
    %swap3A_527 = tpu.vector_load %arg6[%swap3A_525, %swap3A_526] {strides = array<i32>} : memref<64x16xf32, #tpu.memory_space<vmem>>, vector<1x16xf32>,
    %swap3A_528 = vector.shape_cast %swap3A_527 : vector<1x16xf32> to vector<16xf32>
    %swap3A_529 = vector.shape_cast %broadcast_in_dim3A_2 : vector<16xf32> to vector<1x16xf32>
    tpu.vector_store %arg6[%swap3A_525, %swap3A_526], %swap3A_529 {strides = array<i32>} : memref<64x16xf32, #tpu.memory_space<vmem>>, vector<1x16xf32>,
    %swap3A_530 = arith.constant 44 : i32
    %swap3A_531 = arith.index_cast %swap3A_530 : i32 to index
    %swap3A_532 = arith.constant 0 : index
    %swap3A_533 = tpu.vector_load %arg5[%swap3A_531, %swap3A_532] {strides = array<i32>} : memref<64x16xf32, #tpu.memory_space<vmem>>, vector<1x16xf32>,
    %swap3A_534 = vector.shape_cast %swap3A_533 : vector<1x16xf32> to vector<16xf32>
    %swap3A_535 = vector.shape_cast %broadcast_in_dim3A_0 : vector<16xf32> to vector<1x16xf32>
    tpu.vector_store %arg5[%swap3A_531, %swap3A_532], %swap3A_535 {strides = array<i32>} : memref<64x16xf32, #tpu.memory_space<vmem>>, vector<1x16xf32>,
    %swap3A_536 = arith.constant 44 : i32
    %swap3A_537 = arith.index_cast %swap3A_536 : i32 to index
    %swap3A_538 = arith.constant 0 : index
    %swap3A_539 = tpu.vector_load %arg6[%swap3A_537, %swap3A_538] {strides = array<i32>} : memref<64x16xf32, #tpu.memory_space<vmem>>, vector<1x16xf32>,
    %swap3A_540 = vector.shape_cast %swap3A_539 : vector<1x16xf32> to vector<16xf32>
    %swap3A_541 = vector.shape_cast %broadcast_in_dim3A_2 : vector<16xf32> to vector<1x16xf32>
    tpu.vector_store %arg6[%swap3A_537, %swap3A_538], %swap3A_541 {strides = array<i32>} : memref<64x16xf32, #tpu.memory_space<vmem>>, vector<1x16xf32>,
    %swap3A_542 = arith.constant 45 : i32
    %swap3A_543 = arith.index_cast %swap3A_542 : i32 to index
    %swap3A_544 = arith.constant 0 : index
    %swap3A_545 = tpu.vector_load %arg5[%swap3A_543, %swap3A_544] {strides = array<i32>} : memref<64x16xf32, #tpu.memory_space<vmem>>, vector<1x16xf32>,
    %swap3A_546 = vector.shape_cast %swap3A_545 : vector<1x16xf32> to vector<16xf32>
    %swap3A_547 = vector.shape_cast %broadcast_in_dim3A_0 : vector<16xf32> to vector<1x16xf32>
    tpu.vector_store %arg5[%swap3A_543, %swap3A_544], %swap3A_547 {strides = array<i32>} : memref<64x16xf32, #tpu.memory_space<vmem>>, vector<1x16xf32>,
    %swap3A_548 = arith.constant 45 : i32
    %swap3A_549 = arith.index_cast %swap3A_548 : i32 to index
    %swap3A_550 = arith.constant 0 : index
    %swap3A_551 = tpu.vector_load %arg6[%swap3A_549, %swap3A_550] {strides = array<i32>} : memref<64x16xf32, #tpu.memory_space<vmem>>, vector<1x16xf32>,
    %swap3A_552 = vector.shape_cast %swap3A_551 : vector<1x16xf32> to vector<16xf32>
    %swap3A_553 = vector.shape_cast %broadcast_in_dim3A_2 : vector<16xf32> to vector<1x16xf32>
    tpu.vector_store %arg6[%swap3A_549, %swap3A_550], %swap3A_553 {strides = array<i32>} : memref<64x16xf32, #tpu.memory_space<vmem>>, vector<1x16xf32>,
    %swap3A_554 = arith.constant 46 : i32
    %swap3A_555 = arith.index_cast %swap3A_554 : i32 to index
    %swap3A_556 = arith.constant 0 : index
    %swap3A_557 = tpu.vector_load %arg5[%swap3A_555, %swap3A_556] {strides = array<i32>} : memref<64x16xf32, #tpu.memory_space<vmem>>, vector<1x16xf32>,
    %swap3A_558 = vector.shape_cast %swap3A_557 : vector<1x16xf32> to vector<16xf32>
    %swap3A_559 = vector.shape_cast %broadcast_in_dim3A_0 : vector<16xf32> to vector<1x16xf32>
    tpu.vector_store %arg5[%swap3A_555, %swap3A_556], %swap3A_559 {strides = array<i32>} : memref<64x16xf32, #tpu.memory_space<vmem>>, vector<1x16xf32>,
    %swap3A_560 = arith.constant 46 : i32
    %swap3A_561 = arith.index_cast %swap3A_560 : i32 to index
    %swap3A_562 = arith.constant 0 : index
    %swap3A_563 = tpu.vector_load %arg6[%swap3A_561, %swap3A_562] {strides = array<i32>} : memref<64x16xf32, #tpu.memory_space<vmem>>, vector<1x16xf32>,
    %swap3A_564 = vector.shape_cast %swap3A_563 : vector<1x16xf32> to vector<16xf32>
    %swap3A_565 = vector.shape_cast %broadcast_in_dim3A_2 : vector<16xf32> to vector<1x16xf32>
    tpu.vector_store %arg6[%swap3A_561, %swap3A_562], %swap3A_565 {strides = array<i32>} : memref<64x16xf32, #tpu.memory_space<vmem>>, vector<1x16xf32>,
    %swap3A_566 = arith.constant 47 : i32
    %swap3A_567 = arith.index_cast %swap3A_566 : i32 to index
    %swap3A_568 = arith.constant 0 : index
    %swap3A_569 = tpu.vector_load %arg5[%swap3A_567, %swap3A_568] {strides = array<i32>} : memref<64x16xf32, #tpu.memory_space<vmem>>, vector<1x16xf32>,
    %swap3A_570 = vector.shape_cast %swap3A_569 : vector<1x16xf32> to vector<16xf32>
    %swap3A_571 = vector.shape_cast %broadcast_in_dim3A_0 : vector<16xf32> to vector<1x16xf32>
    tpu.vector_store %arg5[%swap3A_567, %swap3A_568], %swap3A_571 {strides = array<i32>} : memref<64x16xf32, #tpu.memory_space<vmem>>, vector<1x16xf32>,
    %swap3A_572 = arith.constant 47 : i32
    %swap3A_573 = arith.index_cast %swap3A_572 : i32 to index
    %swap3A_574 = arith.constant 0 : index
    %swap3A_575 = tpu.vector_load %arg6[%swap3A_573, %swap3A_574] {strides = array<i32>} : memref<64x16xf32, #tpu.memory_space<vmem>>, vector<1x16xf32>,
    %swap3A_576 = vector.shape_cast %swap3A_575 : vector<1x16xf32> to vector<16xf32>
    %swap3A_577 = vector.shape_cast %broadcast_in_dim3A_2 : vector<16xf32> to vector<1x16xf32>
    tpu.vector_store %arg6[%swap3A_573, %swap3A_574], %swap3A_577 {strides = array<i32>} : memref<64x16xf32, #tpu.memory_space<vmem>>, vector<1x16xf32>,
    %swap3A_578 = arith.constant 48 : i32
    %swap3A_579 = arith.index_cast %swap3A_578 : i32 to index
    %swap3A_580 = arith.constant 0 : index
    %swap3A_581 = tpu.vector_load %arg5[%swap3A_579, %swap3A_580] {strides = array<i32>} : memref<64x16xf32, #tpu.memory_space<vmem>>, vector<1x16xf32>,
    %swap3A_582 = vector.shape_cast %swap3A_581 : vector<1x16xf32> to vector<16xf32>
    %swap3A_583 = vector.shape_cast %broadcast_in_dim3A_0 : vector<16xf32> to vector<1x16xf32>
    tpu.vector_store %arg5[%swap3A_579, %swap3A_580], %swap3A_583 {strides = array<i32>} : memref<64x16xf32, #tpu.memory_space<vmem>>, vector<1x16xf32>,
    %swap3A_584 = arith.constant 48 : i32
    %swap3A_585 = arith.index_cast %swap3A_584 : i32 to index
    %swap3A_586 = arith.constant 0 : index
    %swap3A_587 = tpu.vector_load %arg6[%swap3A_585, %swap3A_586] {strides = array<i32>} : memref<64x16xf32, #tpu.memory_space<vmem>>, vector<1x16xf32>,
    %swap3A_588 = vector.shape_cast %swap3A_587 : vector<1x16xf32> to vector<16xf32>
    %swap3A_589 = vector.shape_cast %broadcast_in_dim3A_2 : vector<16xf32> to vector<1x16xf32>
    tpu.vector_store %arg6[%swap3A_585, %swap3A_586], %swap3A_589 {strides = array<i32>} : memref<64x16xf32, #tpu.memory_space<vmem>>, vector<1x16xf32>,
    %swap3A_590 = arith.constant 49 : i32
    %swap3A_591 = arith.index_cast %swap3A_590 : i32 to index
    %swap3A_592 = arith.constant 0 : index
    %swap3A_593 = tpu.vector_load %arg5[%swap3A_591, %swap3A_592] {strides = array<i32>} : memref<64x16xf32, #tpu.memory_space<vmem>>, vector<1x16xf32>,
    %swap3A_594 = vector.shape_cast %swap3A_593 : vector<1x16xf32> to vector<16xf32>
    %swap3A_595 = vector.shape_cast %broadcast_in_dim3A_0 : vector<16xf32> to vector<1x16xf32>
    tpu.vector_store %arg5[%swap3A_591, %swap3A_592], %swap3A_595 {strides = array<i32>} : memref<64x16xf32, #tpu.memory_space<vmem>>, vector<1x16xf32>,
    %swap3A_596 = arith.constant 49 : i32
    %swap3A_597 = arith.index_cast %swap3A_596 : i32 to index
    %swap3A_598 = arith.constant 0 : index
    %swap3A_599 = tpu.vector_load %arg6[%swap3A_597, %swap3A_598] {strides = array<i32>} : memref<64x16xf32, #tpu.memory_space<vmem>>, vector<1x16xf32>,
    %swap3A_600 = vector.shape_cast %swap3A_599 : vector<1x16xf32> to vector<16xf32>
    %swap3A_601 = vector.shape_cast %broadcast_in_dim3A_2 : vector<16xf32> to vector<1x16xf32>
    tpu.vector_store %arg6[%swap3A_597, %swap3A_598], %swap3A_601 {strides = array<i32>} : memref<64x16xf32, #tpu.memory_space<vmem>>, vector<1x16xf32>,
    %swap3A_602 = arith.constant 50 : i32
    %swap3A_603 = arith.index_cast %swap3A_602 : i32 to index
    %swap3A_604 = arith.constant 0 : index
    %swap3A_605 = tpu.vector_load %arg5[%swap3A_603, %swap3A_604] {strides = array<i32>} : memref<64x16xf32, #tpu.memory_space<vmem>>, vector<1x16xf32>,
    %swap3A_606 = vector.shape_cast %swap3A_605 : vector<1x16xf32> to vector<16xf32>
    %swap3A_607 = vector.shape_cast %broadcast_in_dim3A_0 : vector<16xf32> to vector<1x16xf32>
    tpu.vector_store %arg5[%swap3A_603, %swap3A_604], %swap3A_607 {strides = array<i32>} : memref<64x16xf32, #tpu.memory_space<vmem>>, vector<1x16xf32>,
    %swap3A_608 = arith.constant 50 : i32
    %swap3A_609 = arith.index_cast %swap3A_608 : i32 to index
    %swap3A_610 = arith.constant 0 : index
    %swap3A_611 = tpu.vector_load %arg6[%swap3A_609, %swap3A_610] {strides = array<i32>} : memref<64x16xf32, #tpu.memory_space<vmem>>, vector<1x16xf32>,
    %swap3A_612 = vector.shape_cast %swap3A_611 : vector<1x16xf32> to vector<16xf32>
    %swap3A_613 = vector.shape_cast %broadcast_in_dim3A_2 : vector<16xf32> to vector<1x16xf32>
    tpu.vector_store %arg6[%swap3A_609, %swap3A_610], %swap3A_613 {strides = array<i32>} : memref<64x16xf32, #tpu.memory_space<vmem>>, vector<1x16xf32>,
    %swap3A_614 = arith.constant 51 : i32
    %swap3A_615 = arith.index_cast %swap3A_614 : i32 to index
    %swap3A_616 = arith.constant 0 : index
    %swap3A_617 = tpu.vector_load %arg5[%swap3A_615, %swap3A_616] {strides = array<i32>} : memref<64x16xf32, #tpu.memory_space<vmem>>, vector<1x16xf32>,
    %swap3A_618 = vector.shape_cast %swap3A_617 : vector<1x16xf32> to vector<16xf32>
    %swap3A_619 = vector.shape_cast %broadcast_in_dim3A_0 : vector<16xf32> to vector<1x16xf32>
    tpu.vector_store %arg5[%swap3A_615, %swap3A_616], %swap3A_619 {strides = array<i32>} : memref<64x16xf32, #tpu.memory_space<vmem>>, vector<1x16xf32>,
    %swap3A_620 = arith.constant 51 : i32
    %swap3A_621 = arith.index_cast %swap3A_620 : i32 to index
    %swap3A_622 = arith.constant 0 : index
    %swap3A_623 = tpu.vector_load %arg6[%swap3A_621, %swap3A_622] {strides = array<i32>} : memref<64x16xf32, #tpu.memory_space<vmem>>, vector<1x16xf32>,
    %swap3A_624 = vector.shape_cast %swap3A_623 : vector<1x16xf32> to vector<16xf32>
    %swap3A_625 = vector.shape_cast %broadcast_in_dim3A_2 : vector<16xf32> to vector<1x16xf32>
    tpu.vector_store %arg6[%swap3A_621, %swap3A_622], %swap3A_625 {strides = array<i32>} : memref<64x16xf32, #tpu.memory_space<vmem>>, vector<1x16xf32>,
    %swap3A_626 = arith.constant 52 : i32
    %swap3A_627 = arith.index_cast %swap3A_626 : i32 to index
    %swap3A_628 = arith.constant 0 : index
    %swap3A_629 = tpu.vector_load %arg5[%swap3A_627, %swap3A_628] {strides = array<i32>} : memref<64x16xf32, #tpu.memory_space<vmem>>, vector<1x16xf32>,
    %swap3A_630 = vector.shape_cast %swap3A_629 : vector<1x16xf32> to vector<16xf32>
    %swap3A_631 = vector.shape_cast %broadcast_in_dim3A_0 : vector<16xf32> to vector<1x16xf32>
    tpu.vector_store %arg5[%swap3A_627, %swap3A_628], %swap3A_631 {strides = array<i32>} : memref<64x16xf32, #tpu.memory_space<vmem>>, vector<1x16xf32>,
    %swap3A_632 = arith.constant 52 : i32
    %swap3A_633 = arith.index_cast %swap3A_632 : i32 to index
    %swap3A_634 = arith.constant 0 : index
    %swap3A_635 = tpu.vector_load %arg6[%swap3A_633, %swap3A_634] {strides = array<i32>} : memref<64x16xf32, #tpu.memory_space<vmem>>, vector<1x16xf32>,
    %swap3A_636 = vector.shape_cast %swap3A_635 : vector<1x16xf32> to vector<16xf32>
    %swap3A_637 = vector.shape_cast %broadcast_in_dim3A_2 : vector<16xf32> to vector<1x16xf32>
    tpu.vector_store %arg6[%swap3A_633, %swap3A_634], %swap3A_637 {strides = array<i32>} : memref<64x16xf32, #tpu.memory_space<vmem>>, vector<1x16xf32>,
    %swap3A_638 = arith.constant 53 : i32
    %swap3A_639 = arith.index_cast %swap3A_638 : i32 to index
    %swap3A_640 = arith.constant 0 : index
    %swap3A_641 = tpu.vector_load %arg5[%swap3A_639, %swap3A_640] {strides = array<i32>} : memref<64x16xf32, #tpu.memory_space<vmem>>, vector<1x16xf32>,
    %swap3A_642 = vector.shape_cast %swap3A_641 : vector<1x16xf32> to vector<16xf32>
    %swap3A_643 = vector.shape_cast %broadcast_in_dim3A_0 : vector<16xf32> to vector<1x16xf32>
    tpu.vector_store %arg5[%swap3A_639, %swap3A_640], %swap3A_643 {strides = array<i32>} : memref<64x16xf32, #tpu.memory_space<vmem>>, vector<1x16xf32>,
    %swap3A_644 = arith.constant 53 : i32
    %swap3A_645 = arith.index_cast %swap3A_644 : i32 to index
    %swap3A_646 = arith.constant 0 : index
    %swap3A_647 = tpu.vector_load %arg6[%swap3A_645, %swap3A_646] {strides = array<i32>} : memref<64x16xf32, #tpu.memory_space<vmem>>, vector<1x16xf32>,
    %swap3A_648 = vector.shape_cast %swap3A_647 : vector<1x16xf32> to vector<16xf32>
    %swap3A_649 = vector.shape_cast %broadcast_in_dim3A_2 : vector<16xf32> to vector<1x16xf32>
    tpu.vector_store %arg6[%swap3A_645, %swap3A_646], %swap3A_649 {strides = array<i32>} : memref<64x16xf32, #tpu.memory_space<vmem>>, vector<1x16xf32>,
    %swap3A_650 = arith.constant 54 : i32
    %swap3A_651 = arith.index_cast %swap3A_650 : i32 to index
    %swap3A_652 = arith.constant 0 : index
    %swap3A_653 = tpu.vector_load %arg5[%swap3A_651, %swap3A_652] {strides = array<i32>} : memref<64x16xf32, #tpu.memory_space<vmem>>, vector<1x16xf32>,
    %swap3A_654 = vector.shape_cast %swap3A_653 : vector<1x16xf32> to vector<16xf32>
    %swap3A_655 = vector.shape_cast %broadcast_in_dim3A_0 : vector<16xf32> to vector<1x16xf32>
    tpu.vector_store %arg5[%swap3A_651, %swap3A_652], %swap3A_655 {strides = array<i32>} : memref<64x16xf32, #tpu.memory_space<vmem>>, vector<1x16xf32>,
    %swap3A_656 = arith.constant 54 : i32
    %swap3A_657 = arith.index_cast %swap3A_656 : i32 to index
    %swap3A_658 = arith.constant 0 : index
    %swap3A_659 = tpu.vector_load %arg6[%swap3A_657, %swap3A_658] {strides = array<i32>} : memref<64x16xf32, #tpu.memory_space<vmem>>, vector<1x16xf32>,
    %swap3A_660 = vector.shape_cast %swap3A_659 : vector<1x16xf32> to vector<16xf32>
    %swap3A_661 = vector.shape_cast %broadcast_in_dim3A_2 : vector<16xf32> to vector<1x16xf32>
    tpu.vector_store %arg6[%swap3A_657, %swap3A_658], %swap3A_661 {strides = array<i32>} : memref<64x16xf32, #tpu.memory_space<vmem>>, vector<1x16xf32>,
    %swap3A_662 = arith.constant 55 : i32
    %swap3A_663 = arith.index_cast %swap3A_662 : i32 to index
    %swap3A_664 = arith.constant 0 : index
    %swap3A_665 = tpu.vector_load %arg5[%swap3A_663, %swap3A_664] {strides = array<i32>} : memref<64x16xf32, #tpu.memory_space<vmem>>, vector<1x16xf32>,
    %swap3A_666 = vector.shape_cast %swap3A_665 : vector<1x16xf32> to vector<16xf32>
    %swap3A_667 = vector.shape_cast %broadcast_in_dim3A_0 : vector<16xf32> to vector<1x16xf32>
    tpu.vector_store %arg5[%swap3A_663, %swap3A_664], %swap3A_667 {strides = array<i32>} : memref<64x16xf32, #tpu.memory_space<vmem>>, vector<1x16xf32>,
    %swap3A_668 = arith.constant 55 : i32
    %swap3A_669 = arith.index_cast %swap3A_668 : i32 to index
    %swap3A_670 = arith.constant 0 : index
    %swap3A_671 = tpu.vector_load %arg6[%swap3A_669, %swap3A_670] {strides = array<i32>} : memref<64x16xf32, #tpu.memory_space<vmem>>, vector<1x16xf32>,
    %swap3A_672 = vector.shape_cast %swap3A_671 : vector<1x16xf32> to vector<16xf32>
    %swap3A_673 = vector.shape_cast %broadcast_in_dim3A_2 : vector<16xf32> to vector<1x16xf32>
    tpu.vector_store %arg6[%swap3A_669, %swap3A_670], %swap3A_673 {strides = array<i32>} : memref<64x16xf32, #tpu.memory_space<vmem>>, vector<1x16xf32>,
    %swap3A_674 = arith.constant 56 : i32
    %swap3A_675 = arith.index_cast %swap3A_674 : i32 to index
    %swap3A_676 = arith.constant 0 : index
    %swap3A_677 = tpu.vector_load %arg5[%swap3A_675, %swap3A_676] {strides = array<i32>} : memref<64x16xf32, #tpu.memory_space<vmem>>, vector<1x16xf32>,
    %swap3A_678 = vector.shape_cast %swap3A_677 : vector<1x16xf32> to vector<16xf32>
    %swap3A_679 = vector.shape_cast %broadcast_in_dim3A_0 : vector<16xf32> to vector<1x16xf32>
    tpu.vector_store %arg5[%swap3A_675, %swap3A_676], %swap3A_679 {strides = array<i32>} : memref<64x16xf32, #tpu.memory_space<vmem>>, vector<1x16xf32>,
    %swap3A_680 = arith.constant 56 : i32
    %swap3A_681 = arith.index_cast %swap3A_680 : i32 to index
    %swap3A_682 = arith.constant 0 : index
    %swap3A_683 = tpu.vector_load %arg6[%swap3A_681, %swap3A_682] {strides = array<i32>} : memref<64x16xf32, #tpu.memory_space<vmem>>, vector<1x16xf32>,
    %swap3A_684 = vector.shape_cast %swap3A_683 : vector<1x16xf32> to vector<16xf32>
    %swap3A_685 = vector.shape_cast %broadcast_in_dim3A_2 : vector<16xf32> to vector<1x16xf32>
    tpu.vector_store %arg6[%swap3A_681, %swap3A_682], %swap3A_685 {strides = array<i32>} : memref<64x16xf32, #tpu.memory_space<vmem>>, vector<1x16xf32>,
    %swap3A_686 = arith.constant 57 : i32
    %swap3A_687 = arith.index_cast %swap3A_686 : i32 to index
    %swap3A_688 = arith.constant 0 : index
    %swap3A_689 = tpu.vector_load %arg5[%swap3A_687, %swap3A_688] {strides = array<i32>} : memref<64x16xf32, #tpu.memory_space<vmem>>, vector<1x16xf32>,
    %swap3A_690 = vector.shape_cast %swap3A_689 : vector<1x16xf32> to vector<16xf32>
    %swap3A_691 = vector.shape_cast %broadcast_in_dim3A_0 : vector<16xf32> to vector<1x16xf32>
    tpu.vector_store %arg5[%swap3A_687, %swap3A_688], %swap3A_691 {strides = array<i32>} : memref<64x16xf32, #tpu.memory_space<vmem>>, vector<1x16xf32>,
    %swap3A_692 = arith.constant 57 : i32
    %swap3A_693 = arith.index_cast %swap3A_692 : i32 to index
    %swap3A_694 = arith.constant 0 : index
    %swap3A_695 = tpu.vector_load %arg6[%swap3A_693, %swap3A_694] {strides = array<i32>} : memref<64x16xf32, #tpu.memory_space<vmem>>, vector<1x16xf32>,
    %swap3A_696 = vector.shape_cast %swap3A_695 : vector<1x16xf32> to vector<16xf32>
    %swap3A_697 = vector.shape_cast %broadcast_in_dim3A_2 : vector<16xf32> to vector<1x16xf32>
    tpu.vector_store %arg6[%swap3A_693, %swap3A_694], %swap3A_697 {strides = array<i32>} : memref<64x16xf32, #tpu.memory_space<vmem>>, vector<1x16xf32>,
    %swap3A_698 = arith.constant 58 : i32
    %swap3A_699 = arith.index_cast %swap3A_698 : i32 to index
    %swap3A_700 = arith.constant 0 : index
    %swap3A_701 = tpu.vector_load %arg5[%swap3A_699, %swap3A_700] {strides = array<i32>} : memref<64x16xf32, #tpu.memory_space<vmem>>, vector<1x16xf32>,
    %swap3A_702 = vector.shape_cast %swap3A_701 : vector<1x16xf32> to vector<16xf32>
    %swap3A_703 = vector.shape_cast %broadcast_in_dim3A_0 : vector<16xf32> to vector<1x16xf32>
    tpu.vector_store %arg5[%swap3A_699, %swap3A_700], %swap3A_703 {strides = array<i32>} : memref<64x16xf32, #tpu.memory_space<vmem>>, vector<1x16xf32>,
    %swap3A_704 = arith.constant 58 : i32
    %swap3A_705 = arith.index_cast %swap3A_704 : i32 to index
    %swap3A_706 = arith.constant 0 : index
    %swap3A_707 = tpu.vector_load %arg6[%swap3A_705, %swap3A_706] {strides = array<i32>} : memref<64x16xf32, #tpu.memory_space<vmem>>, vector<1x16xf32>,
    %swap3A_708 = vector.shape_cast %swap3A_707 : vector<1x16xf32> to vector<16xf32>
    %swap3A_709 = vector.shape_cast %broadcast_in_dim3A_2 : vector<16xf32> to vector<1x16xf32>
    tpu.vector_store %arg6[%swap3A_705, %swap3A_706], %swap3A_709 {strides = array<i32>} : memref<64x16xf32, #tpu.memory_space<vmem>>, vector<1x16xf32>,
    %swap3A_710 = arith.constant 59 : i32
    %swap3A_711 = arith.index_cast %swap3A_710 : i32 to index
    %swap3A_712 = arith.constant 0 : index
    %swap3A_713 = tpu.vector_load %arg5[%swap3A_711, %swap3A_712] {strides = array<i32>} : memref<64x16xf32, #tpu.memory_space<vmem>>, vector<1x16xf32>,
    %swap3A_714 = vector.shape_cast %swap3A_713 : vector<1x16xf32> to vector<16xf32>
    %swap3A_715 = vector.shape_cast %broadcast_in_dim3A_0 : vector<16xf32> to vector<1x16xf32>
    tpu.vector_store %arg5[%swap3A_711, %swap3A_712], %swap3A_715 {strides = array<i32>} : memref<64x16xf32, #tpu.memory_space<vmem>>, vector<1x16xf32>,
    %swap3A_716 = arith.constant 59 : i32
    %swap3A_717 = arith.index_cast %swap3A_716 : i32 to index
    %swap3A_718 = arith.constant 0 : index
    %swap3A_719 = tpu.vector_load %arg6[%swap3A_717, %swap3A_718] {strides = array<i32>} : memref<64x16xf32, #tpu.memory_space<vmem>>, vector<1x16xf32>,
    %swap3A_720 = vector.shape_cast %swap3A_719 : vector<1x16xf32> to vector<16xf32>
    %swap3A_721 = vector.shape_cast %broadcast_in_dim3A_2 : vector<16xf32> to vector<1x16xf32>
    tpu.vector_store %arg6[%swap3A_717, %swap3A_718], %swap3A_721 {strides = array<i32>} : memref<64x16xf32, #tpu.memory_space<vmem>>, vector<1x16xf32>,
    %swap3A_722 = arith.constant 60 : i32
    %swap3A_723 = arith.index_cast %swap3A_722 : i32 to index
    %swap3A_724 = arith.constant 0 : index
    %swap3A_725 = tpu.vector_load %arg5[%swap3A_723, %swap3A_724] {strides = array<i32>} : memref<64x16xf32, #tpu.memory_space<vmem>>, vector<1x16xf32>,
    %swap3A_726 = vector.shape_cast %swap3A_725 : vector<1x16xf32> to vector<16xf32>
    %swap3A_727 = vector.shape_cast %broadcast_in_dim3A_0 : vector<16xf32> to vector<1x16xf32>
    tpu.vector_store %arg5[%swap3A_723, %swap3A_724], %swap3A_727 {strides = array<i32>} : memref<64x16xf32, #tpu.memory_space<vmem>>, vector<1x16xf32>,
    %swap3A_728 = arith.constant 60 : i32
    %swap3A_729 = arith.index_cast %swap3A_728 : i32 to index
    %swap3A_730 = arith.constant 0 : index
    %swap3A_731 = tpu.vector_load %arg6[%swap3A_729, %swap3A_730] {strides = array<i32>} : memref<64x16xf32, #tpu.memory_space<vmem>>, vector<1x16xf32>,
    %swap3A_732 = vector.shape_cast %swap3A_731 : vector<1x16xf32> to vector<16xf32>
    %swap3A_733 = vector.shape_cast %broadcast_in_dim3A_2 : vector<16xf32> to vector<1x16xf32>
    tpu.vector_store %arg6[%swap3A_729, %swap3A_730], %swap3A_733 {strides = array<i32>} : memref<64x16xf32, #tpu.memory_space<vmem>>, vector<1x16xf32>,
    %swap3A_734 = arith.constant 61 : i32
    %swap3A_735 = arith.index_cast %swap3A_734 : i32 to index
    %swap3A_736 = arith.constant 0 : index
    %swap3A_737 = tpu.vector_load %arg5[%swap3A_735, %swap3A_736] {strides = array<i32>} : memref<64x16xf32, #tpu.memory_space<vmem>>, vector<1x16xf32>,
    %swap3A_738 = vector.shape_cast %swap3A_737 : vector<1x16xf32> to vector<16xf32>
    %swap3A_739 = vector.shape_cast %broadcast_in_dim3A_0 : vector<16xf32> to vector<1x16xf32>
    tpu.vector_store %arg5[%swap3A_735, %swap3A_736], %swap3A_739 {strides = array<i32>} : memref<64x16xf32, #tpu.memory_space<vmem>>, vector<1x16xf32>,
    %swap3A_740 = arith.constant 61 : i32
    %swap3A_741 = arith.index_cast %swap3A_740 : i32 to index
    %swap3A_742 = arith.constant 0 : index
    %swap3A_743 = tpu.vector_load %arg6[%swap3A_741, %swap3A_742] {strides = array<i32>} : memref<64x16xf32, #tpu.memory_space<vmem>>, vector<1x16xf32>,
    %swap3A_744 = vector.shape_cast %swap3A_743 : vector<1x16xf32> to vector<16xf32>
    %swap3A_745 = vector.shape_cast %broadcast_in_dim3A_2 : vector<16xf32> to vector<1x16xf32>
    tpu.vector_store %arg6[%swap3A_741, %swap3A_742], %swap3A_745 {strides = array<i32>} : memref<64x16xf32, #tpu.memory_space<vmem>>, vector<1x16xf32>,
    %swap3A_746 = arith.constant 62 : i32
    %swap3A_747 = arith.index_cast %swap3A_746 : i32 to index
    %swap3A_748 = arith.constant 0 : index
    %swap3A_749 = tpu.vector_load %arg5[%swap3A_747, %swap3A_748] {strides = array<i32>} : memref<64x16xf32, #tpu.memory_space<vmem>>, vector<1x16xf32>,
    %swap3A_750 = vector.shape_cast %swap3A_749 : vector<1x16xf32> to vector<16xf32>
    %swap3A_751 = vector.shape_cast %broadcast_in_dim3A_0 : vector<16xf32> to vector<1x16xf32>
    tpu.vector_store %arg5[%swap3A_747, %swap3A_748], %swap3A_751 {strides = array<i32>} : memref<64x16xf32, #tpu.memory_space<vmem>>, vector<1x16xf32>,
    %swap3A_752 = arith.constant 62 : i32
    %swap3A_753 = arith.index_cast %swap3A_752 : i32 to index
    %swap3A_754 = arith.constant 0 : index
    %swap3A_755 = tpu.vector_load %arg6[%swap3A_753, %swap3A_754] {strides = array<i32>} : memref<64x16xf32, #tpu.memory_space<vmem>>, vector<1x16xf32>,
    %swap3A_756 = vector.shape_cast %swap3A_755 : vector<1x16xf32> to vector<16xf32>
    %swap3A_757 = vector.shape_cast %broadcast_in_dim3A_2 : vector<16xf32> to vector<1x16xf32>
    tpu.vector_store %arg6[%swap3A_753, %swap3A_754], %swap3A_757 {strides = array<i32>} : memref<64x16xf32, #tpu.memory_space<vmem>>, vector<1x16xf32>,
    %swap3A_758 = arith.constant 63 : i32
    %swap3A_759 = arith.index_cast %swap3A_758 : i32 to index
    %swap3A_760 = arith.constant 0 : index
    %swap3A_761 = tpu.vector_load %arg5[%swap3A_759, %swap3A_760] {strides = array<i32>} : memref<64x16xf32, #tpu.memory_space<vmem>>, vector<1x16xf32>,
    %swap3A_762 = vector.shape_cast %swap3A_761 : vector<1x16xf32> to vector<16xf32>
    %swap3A_763 = vector.shape_cast %broadcast_in_dim3A_0 : vector<16xf32> to vector<1x16xf32>
    tpu.vector_store %arg5[%swap3A_759, %swap3A_760], %swap3A_763 {strides = array<i32>} : memref<64x16xf32, #tpu.memory_space<vmem>>, vector<1x16xf32>,
    %swap3A_764 = arith.constant 63 : i32
    %swap3A_765 = arith.index_cast %swap3A_764 : i32 to index
    %swap3A_766 = arith.constant 0 : index
    %swap3A_767 = tpu.vector_load %arg6[%swap3A_765, %swap3A_766] {strides = array<i32>} : memref<64x16xf32, #tpu.memory_space<vmem>>, vector<1x16xf32>,
    %swap3A_768 = vector.shape_cast %swap3A_767 : vector<1x16xf32> to vector<16xf32>
    %swap3A_769 = vector.shape_cast %broadcast_in_dim3A_2 : vector<16xf32> to vector<1x16xf32>
    tpu.vector_store %arg6[%swap3A_765, %swap3A_766], %swap3A_769 {strides = array<i32>} : memref<64x16xf32, #tpu.memory_space<vmem>>, vector<1x16xf32>,
    %mul3A = arith.constant 632 : i32
    %mul3A_770 = arith.muli %arg1, %mul3A : i32
    %eq3A = arith.constant 0 : i32
    %eq3A_771 = arith.cmpi eq, %arg0, %eq3A : i32
    %convert_element_type3A = arith.extui %eq3A_771 : i1 to i32
    %cond3A = arith.constant 0 : i32
    %cond3A_772 = arith.cmpi ne, %convert_element_type3A, %cond3A : i32
    scf.if %cond3A_772 {
      "tpu.region"() ({
        %run_scoped3A = tpu.sem_alloc : memref<!tpu.dma_semaphore, #tpu.memory_space<semaphore_mem>>
        %dma_start3A = arith.constant 0 : i32
        %dma_start3A_803 = arith.constant 0 : i32
        %dma_start3A_804 = tpu.memref_slice %arg2[%arg1, %dma_start3A, %dma_start3A_803] : memref<16x320x64xi32, #tpu.memory_space<hbm>> -> memref<1x320x64xi32, #tpu.memory_space<hbm>>
        %dma_start3A_805 = tpu.memref_squeeze %dma_start3A_804 : memref<1x320x64xi32, #tpu.memory_space<hbm>> -> memref<320x64xi32, #tpu.memory_space<hbm>>
        %dma_start3A_806 = arith.constant 0 : i32
        %dma_start3A_807 = arith.constant 0 : i32
        %dma_start3A_808 = tpu.memref_slice %arg2[%arg1, %dma_start3A_806, %dma_start3A_807] : memref<16x320x64xi32, #tpu.memory_space<hbm>> -> memref<1x320x64xi32, #tpu.memory_space<hbm>>
        %dma_start3A_809 = tpu.memref_squeeze %dma_start3A_808 : memref<1x320x64xi32, #tpu.memory_space<hbm>> -> memref<320x64xi32, #tpu.memory_space<hbm>>
        tpu.enqueue_dma source(%dma_start3A_809 : memref<320x64xi32, #tpu.memory_space<hbm>>) target(%arg4 : memref<320x64xi32, #tpu.memory_space<vmem>>) target_semaphore(%run_scoped3A : memref<!tpu.dma_semaphore, #tpu.memory_space<semaphore_mem>>)
        %dma_wait3A = arith.constant 0 : i32
        %dma_wait3A_810 = arith.constant 0 : i32
        %dma_wait3A_811 = tpu.memref_slice %arg2[%arg1, %dma_wait3A, %dma_wait3A_810] : memref<16x320x64xi32, #tpu.memory_space<hbm>> -> memref<1x320x64xi32, #tpu.memory_space<hbm>>
        %dma_wait3A_812 = tpu.memref_squeeze %dma_wait3A_811 : memref<1x320x64xi32, #tpu.memory_space<hbm>> -> memref<320x64xi32, #tpu.memory_space<hbm>>
        %dma_wait3A_813 = arith.constant 0 : i32
        %dma_wait3A_814 = arith.constant 0 : i32
        %dma_wait3A_815 = tpu.memref_slice %arg2[%arg1, %dma_wait3A_813, %dma_wait3A_814] : memref<16x320x64xi32, #tpu.memory_space<hbm>> -> memref<1x320x64xi32, #tpu.memory_space<hbm>>
        %dma_wait3A_816 = tpu.memref_squeeze %dma_wait3A_815 : memref<1x320x64xi32, #tpu.memory_space<hbm>> -> memref<320x64xi32, #tpu.memory_space<hbm>>
        tpu.wait_dma2 semaphore(%run_scoped3A : memref<!tpu.dma_semaphore, #tpu.memory_space<semaphore_mem>>) src(%dma_wait3A_816 : memref<320x64xi32, #tpu.memory_space<hbm>>) dst(%arg4 : memref<320x64xi32, #tpu.memory_space<vmem>>)
        tpu.yield
      }) : () -> ()
      %add3A = arith.constant 0 : i32
      %add3A_784 = arith.addi %mul3A_770, %add3A : i32
      "tpu.region"() ({
        %run_scoped3A = tpu.sem_alloc : memref<!tpu.dma_semaphore, #tpu.memory_space<semaphore_mem>>
        %dma_start3A = arith.constant 0 : i32
        %dma_start3A_803 = tpu.memref_slice %arg7[%add3A_784, %dma_start3A] : memref<10112x16xf32, #tpu.memory_space<vmem_shared>> -> memref<64x16xf32, #tpu.memory_space<vmem_shared>>
        %dma_start3A_804 = arith.constant 0 : i32
        %dma_start3A_805 = tpu.memref_slice %arg7[%add3A_784, %dma_start3A_804] : memref<10112x16xf32, #tpu.memory_space<vmem_shared>> -> memref<64x16xf32, #tpu.memory_space<vmem_shared>>
        tpu.enqueue_dma source(%arg6 : memref<64x16xf32, #tpu.memory_space<vmem>>) target(%dma_start3A_805 : memref<64x16xf32, #tpu.memory_space<vmem_shared>>) target_semaphore(%run_scoped3A : memref<!tpu.dma_semaphore, #tpu.memory_space<semaphore_mem>>)
        %dma_wait3A = arith.constant 0 : i32
        %dma_wait3A_806 = tpu.memref_slice %arg7[%add3A_784, %dma_wait3A] : memref<10112x16xf32, #tpu.memory_space<vmem_shared>> -> memref<64x16xf32, #tpu.memory_space<vmem_shared>>
        %dma_wait3A_807 = arith.constant 0 : i32
        %dma_wait3A_808 = tpu.memref_slice %arg7[%add3A_784, %dma_wait3A_807] : memref<10112x16xf32, #tpu.memory_space<vmem_shared>> -> memref<64x16xf32, #tpu.memory_space<vmem_shared>>
        tpu.wait_dma2 semaphore(%run_scoped3A : memref<!tpu.dma_semaphore, #tpu.memory_space<semaphore_mem>>) src(%arg6 : memref<64x16xf32, #tpu.memory_space<vmem>>) dst(%dma_wait3A_808 : memref<64x16xf32, #tpu.memory_space<vmem_shared>>)
        tpu.yield
      }) : () -> ()
      %add3A_785 = arith.constant 64 : i32
      %add3A_786 = arith.addi %mul3A_770, %add3A_785 : i32
      "tpu.region"() ({
        %run_scoped3A = tpu.sem_alloc : memref<!tpu.dma_semaphore, #tpu.memory_space<semaphore_mem>>
        %dma_start3A = arith.constant 0 : i32
        %dma_start3A_803 = tpu.memref_slice %arg7[%add3A_786, %dma_start3A] : memref<10112x16xf32, #tpu.memory_space<vmem_shared>> -> memref<64x16xf32, #tpu.memory_space<vmem_shared>>
        %dma_start3A_804 = arith.constant 0 : i32
        %dma_start3A_805 = tpu.memref_slice %arg7[%add3A_786, %dma_start3A_804] : memref<10112x16xf32, #tpu.memory_space<vmem_shared>> -> memref<64x16xf32, #tpu.memory_space<vmem_shared>>
        tpu.enqueue_dma source(%arg6 : memref<64x16xf32, #tpu.memory_space<vmem>>) target(%dma_start3A_805 : memref<64x16xf32, #tpu.memory_space<vmem_shared>>) target_semaphore(%run_scoped3A : memref<!tpu.dma_semaphore, #tpu.memory_space<semaphore_mem>>)
        %dma_wait3A = arith.constant 0 : i32
        %dma_wait3A_806 = tpu.memref_slice %arg7[%add3A_786, %dma_wait3A] : memref<10112x16xf32, #tpu.memory_space<vmem_shared>> -> memref<64x16xf32, #tpu.memory_space<vmem_shared>>
        %dma_wait3A_807 = arith.constant 0 : i32
        %dma_wait3A_808 = tpu.memref_slice %arg7[%add3A_786, %dma_wait3A_807] : memref<10112x16xf32, #tpu.memory_space<vmem_shared>> -> memref<64x16xf32, #tpu.memory_space<vmem_shared>>
        tpu.wait_dma2 semaphore(%run_scoped3A : memref<!tpu.dma_semaphore, #tpu.memory_space<semaphore_mem>>) src(%arg6 : memref<64x16xf32, #tpu.memory_space<vmem>>) dst(%dma_wait3A_808 : memref<64x16xf32, #tpu.memory_space<vmem_shared>>)
        tpu.yield
      }) : () -> ()
      %add3A_787 = arith.constant 128 : i32
      %add3A_788 = arith.addi %mul3A_770, %add3A_787 : i32
      "tpu.region"() ({
        %run_scoped3A = tpu.sem_alloc : memref<!tpu.dma_semaphore, #tpu.memory_space<semaphore_mem>>
        %dma_start3A = arith.constant 0 : i32
        %dma_start3A_803 = tpu.memref_slice %arg7[%add3A_788, %dma_start3A] : memref<10112x16xf32, #tpu.memory_space<vmem_shared>> -> memref<64x16xf32, #tpu.memory_space<vmem_shared>>
        %dma_start3A_804 = arith.constant 0 : i32
        %dma_start3A_805 = tpu.memref_slice %arg7[%add3A_788, %dma_start3A_804] : memref<10112x16xf32, #tpu.memory_space<vmem_shared>> -> memref<64x16xf32, #tpu.memory_space<vmem_shared>>
        tpu.enqueue_dma source(%arg6 : memref<64x16xf32, #tpu.memory_space<vmem>>) target(%dma_start3A_805 : memref<64x16xf32, #tpu.memory_space<vmem_shared>>) target_semaphore(%run_scoped3A : memref<!tpu.dma_semaphore, #tpu.memory_space<semaphore_mem>>)
        %dma_wait3A = arith.constant 0 : i32
        %dma_wait3A_806 = tpu.memref_slice %arg7[%add3A_788, %dma_wait3A] : memref<10112x16xf32, #tpu.memory_space<vmem_shared>> -> memref<64x16xf32, #tpu.memory_space<vmem_shared>>
        %dma_wait3A_807 = arith.constant 0 : i32
        %dma_wait3A_808 = tpu.memref_slice %arg7[%add3A_788, %dma_wait3A_807] : memref<10112x16xf32, #tpu.memory_space<vmem_shared>> -> memref<64x16xf32, #tpu.memory_space<vmem_shared>>
        tpu.wait_dma2 semaphore(%run_scoped3A : memref<!tpu.dma_semaphore, #tpu.memory_space<semaphore_mem>>) src(%arg6 : memref<64x16xf32, #tpu.memory_space<vmem>>) dst(%dma_wait3A_808 : memref<64x16xf32, #tpu.memory_space<vmem_shared>>)
        tpu.yield
      }) : () -> ()
      %add3A_789 = arith.constant 192 : i32
      %add3A_790 = arith.addi %mul3A_770, %add3A_789 : i32
      "tpu.region"() ({
        %run_scoped3A = tpu.sem_alloc : memref<!tpu.dma_semaphore, #tpu.memory_space<semaphore_mem>>
        %dma_start3A = arith.constant 0 : i32
        %dma_start3A_803 = tpu.memref_slice %arg7[%add3A_790, %dma_start3A] : memref<10112x16xf32, #tpu.memory_space<vmem_shared>> -> memref<64x16xf32, #tpu.memory_space<vmem_shared>>
        %dma_start3A_804 = arith.constant 0 : i32
        %dma_start3A_805 = tpu.memref_slice %arg7[%add3A_790, %dma_start3A_804] : memref<10112x16xf32, #tpu.memory_space<vmem_shared>> -> memref<64x16xf32, #tpu.memory_space<vmem_shared>>
        tpu.enqueue_dma source(%arg6 : memref<64x16xf32, #tpu.memory_space<vmem>>) target(%dma_start3A_805 : memref<64x16xf32, #tpu.memory_space<vmem_shared>>) target_semaphore(%run_scoped3A : memref<!tpu.dma_semaphore, #tpu.memory_space<semaphore_mem>>)
        %dma_wait3A = arith.constant 0 : i32
        %dma_wait3A_806 = tpu.memref_slice %arg7[%add3A_790, %dma_wait3A] : memref<10112x16xf32, #tpu.memory_space<vmem_shared>> -> memref<64x16xf32, #tpu.memory_space<vmem_shared>>
        %dma_wait3A_807 = arith.constant 0 : i32
        %dma_wait3A_808 = tpu.memref_slice %arg7[%add3A_790, %dma_wait3A_807] : memref<10112x16xf32, #tpu.memory_space<vmem_shared>> -> memref<64x16xf32, #tpu.memory_space<vmem_shared>>
        tpu.wait_dma2 semaphore(%run_scoped3A : memref<!tpu.dma_semaphore, #tpu.memory_space<semaphore_mem>>) src(%arg6 : memref<64x16xf32, #tpu.memory_space<vmem>>) dst(%dma_wait3A_808 : memref<64x16xf32, #tpu.memory_space<vmem_shared>>)
        tpu.yield
      }) : () -> ()
      %add3A_791 = arith.constant 256 : i32
      %add3A_792 = arith.addi %mul3A_770, %add3A_791 : i32
      "tpu.region"() ({
        %run_scoped3A = tpu.sem_alloc : memref<!tpu.dma_semaphore, #tpu.memory_space<semaphore_mem>>
        %dma_start3A = arith.constant 0 : i32
        %dma_start3A_803 = tpu.memref_slice %arg7[%add3A_792, %dma_start3A] : memref<10112x16xf32, #tpu.memory_space<vmem_shared>> -> memref<64x16xf32, #tpu.memory_space<vmem_shared>>
        %dma_start3A_804 = arith.constant 0 : i32
        %dma_start3A_805 = tpu.memref_slice %arg7[%add3A_792, %dma_start3A_804] : memref<10112x16xf32, #tpu.memory_space<vmem_shared>> -> memref<64x16xf32, #tpu.memory_space<vmem_shared>>
        tpu.enqueue_dma source(%arg6 : memref<64x16xf32, #tpu.memory_space<vmem>>) target(%dma_start3A_805 : memref<64x16xf32, #tpu.memory_space<vmem_shared>>) target_semaphore(%run_scoped3A : memref<!tpu.dma_semaphore, #tpu.memory_space<semaphore_mem>>)
        %dma_wait3A = arith.constant 0 : i32
        %dma_wait3A_806 = tpu.memref_slice %arg7[%add3A_792, %dma_wait3A] : memref<10112x16xf32, #tpu.memory_space<vmem_shared>> -> memref<64x16xf32, #tpu.memory_space<vmem_shared>>
        %dma_wait3A_807 = arith.constant 0 : i32
        %dma_wait3A_808 = tpu.memref_slice %arg7[%add3A_792, %dma_wait3A_807] : memref<10112x16xf32, #tpu.memory_space<vmem_shared>> -> memref<64x16xf32, #tpu.memory_space<vmem_shared>>
        tpu.wait_dma2 semaphore(%run_scoped3A : memref<!tpu.dma_semaphore, #tpu.memory_space<semaphore_mem>>) src(%arg6 : memref<64x16xf32, #tpu.memory_space<vmem>>) dst(%dma_wait3A_808 : memref<64x16xf32, #tpu.memory_space<vmem_shared>>)
        tpu.yield
      }) : () -> ()
      %add3A_793 = arith.constant 320 : i32
      %add3A_794 = arith.addi %mul3A_770, %add3A_793 : i32
      "tpu.region"() ({
        %run_scoped3A = tpu.sem_alloc : memref<!tpu.dma_semaphore, #tpu.memory_space<semaphore_mem>>
        %dma_start3A = arith.constant 0 : i32
        %dma_start3A_803 = tpu.memref_slice %arg7[%add3A_794, %dma_start3A] : memref<10112x16xf32, #tpu.memory_space<vmem_shared>> -> memref<64x16xf32, #tpu.memory_space<vmem_shared>>
        %dma_start3A_804 = arith.constant 0 : i32
        %dma_start3A_805 = tpu.memref_slice %arg7[%add3A_794, %dma_start3A_804] : memref<10112x16xf32, #tpu.memory_space<vmem_shared>> -> memref<64x16xf32, #tpu.memory_space<vmem_shared>>
        tpu.enqueue_dma source(%arg6 : memref<64x16xf32, #tpu.memory_space<vmem>>) target(%dma_start3A_805 : memref<64x16xf32, #tpu.memory_space<vmem_shared>>) target_semaphore(%run_scoped3A : memref<!tpu.dma_semaphore, #tpu.memory_space<semaphore_mem>>)
        %dma_wait3A = arith.constant 0 : i32
        %dma_wait3A_806 = tpu.memref_slice %arg7[%add3A_794, %dma_wait3A] : memref<10112x16xf32, #tpu.memory_space<vmem_shared>> -> memref<64x16xf32, #tpu.memory_space<vmem_shared>>
        %dma_wait3A_807 = arith.constant 0 : i32
        %dma_wait3A_808 = tpu.memref_slice %arg7[%add3A_794, %dma_wait3A_807] : memref<10112x16xf32, #tpu.memory_space<vmem_shared>> -> memref<64x16xf32, #tpu.memory_space<vmem_shared>>
        tpu.wait_dma2 semaphore(%run_scoped3A : memref<!tpu.dma_semaphore, #tpu.memory_space<semaphore_mem>>) src(%arg6 : memref<64x16xf32, #tpu.memory_space<vmem>>) dst(%dma_wait3A_808 : memref<64x16xf32, #tpu.memory_space<vmem_shared>>)
        tpu.yield
      }) : () -> ()
      %add3A_795 = arith.constant 384 : i32
      %add3A_796 = arith.addi %mul3A_770, %add3A_795 : i32
      "tpu.region"() ({
        %run_scoped3A = tpu.sem_alloc : memref<!tpu.dma_semaphore, #tpu.memory_space<semaphore_mem>>
        %dma_start3A = arith.constant 0 : i32
        %dma_start3A_803 = tpu.memref_slice %arg7[%add3A_796, %dma_start3A] : memref<10112x16xf32, #tpu.memory_space<vmem_shared>> -> memref<64x16xf32, #tpu.memory_space<vmem_shared>>
        %dma_start3A_804 = arith.constant 0 : i32
        %dma_start3A_805 = tpu.memref_slice %arg7[%add3A_796, %dma_start3A_804] : memref<10112x16xf32, #tpu.memory_space<vmem_shared>> -> memref<64x16xf32, #tpu.memory_space<vmem_shared>>
        tpu.enqueue_dma source(%arg6 : memref<64x16xf32, #tpu.memory_space<vmem>>) target(%dma_start3A_805 : memref<64x16xf32, #tpu.memory_space<vmem_shared>>) target_semaphore(%run_scoped3A : memref<!tpu.dma_semaphore, #tpu.memory_space<semaphore_mem>>)
        %dma_wait3A = arith.constant 0 : i32
        %dma_wait3A_806 = tpu.memref_slice %arg7[%add3A_796, %dma_wait3A] : memref<10112x16xf32, #tpu.memory_space<vmem_shared>> -> memref<64x16xf32, #tpu.memory_space<vmem_shared>>
        %dma_wait3A_807 = arith.constant 0 : i32
        %dma_wait3A_808 = tpu.memref_slice %arg7[%add3A_796, %dma_wait3A_807] : memref<10112x16xf32, #tpu.memory_space<vmem_shared>> -> memref<64x16xf32, #tpu.memory_space<vmem_shared>>
        tpu.wait_dma2 semaphore(%run_scoped3A : memref<!tpu.dma_semaphore, #tpu.memory_space<semaphore_mem>>) src(%arg6 : memref<64x16xf32, #tpu.memory_space<vmem>>) dst(%dma_wait3A_808 : memref<64x16xf32, #tpu.memory_space<vmem_shared>>)
        tpu.yield
      }) : () -> ()
      %add3A_797 = arith.constant 448 : i32
      %add3A_798 = arith.addi %mul3A_770, %add3A_797 : i32
      "tpu.region"() ({
        %run_scoped3A = tpu.sem_alloc : memref<!tpu.dma_semaphore, #tpu.memory_space<semaphore_mem>>
        %dma_start3A = arith.constant 0 : i32
        %dma_start3A_803 = tpu.memref_slice %arg7[%add3A_798, %dma_start3A] : memref<10112x16xf32, #tpu.memory_space<vmem_shared>> -> memref<64x16xf32, #tpu.memory_space<vmem_shared>>
        %dma_start3A_804 = arith.constant 0 : i32
        %dma_start3A_805 = tpu.memref_slice %arg7[%add3A_798, %dma_start3A_804] : memref<10112x16xf32, #tpu.memory_space<vmem_shared>> -> memref<64x16xf32, #tpu.memory_space<vmem_shared>>
        tpu.enqueue_dma source(%arg6 : memref<64x16xf32, #tpu.memory_space<vmem>>) target(%dma_start3A_805 : memref<64x16xf32, #tpu.memory_space<vmem_shared>>) target_semaphore(%run_scoped3A : memref<!tpu.dma_semaphore, #tpu.memory_space<semaphore_mem>>)
        %dma_wait3A = arith.constant 0 : i32
        %dma_wait3A_806 = tpu.memref_slice %arg7[%add3A_798, %dma_wait3A] : memref<10112x16xf32, #tpu.memory_space<vmem_shared>> -> memref<64x16xf32, #tpu.memory_space<vmem_shared>>
        %dma_wait3A_807 = arith.constant 0 : i32
        %dma_wait3A_808 = tpu.memref_slice %arg7[%add3A_798, %dma_wait3A_807] : memref<10112x16xf32, #tpu.memory_space<vmem_shared>> -> memref<64x16xf32, #tpu.memory_space<vmem_shared>>
        tpu.wait_dma2 semaphore(%run_scoped3A : memref<!tpu.dma_semaphore, #tpu.memory_space<semaphore_mem>>) src(%arg6 : memref<64x16xf32, #tpu.memory_space<vmem>>) dst(%dma_wait3A_808 : memref<64x16xf32, #tpu.memory_space<vmem_shared>>)
        tpu.yield
      }) : () -> ()
      %add3A_799 = arith.constant 512 : i32
      %add3A_800 = arith.addi %mul3A_770, %add3A_799 : i32
      "tpu.region"() ({
        %run_scoped3A = tpu.sem_alloc : memref<!tpu.dma_semaphore, #tpu.memory_space<semaphore_mem>>
        %dma_start3A = arith.constant 0 : i32
        %dma_start3A_803 = tpu.memref_slice %arg7[%add3A_800, %dma_start3A] : memref<10112x16xf32, #tpu.memory_space<vmem_shared>> -> memref<64x16xf32, #tpu.memory_space<vmem_shared>>
        %dma_start3A_804 = arith.constant 0 : i32
        %dma_start3A_805 = tpu.memref_slice %arg7[%add3A_800, %dma_start3A_804] : memref<10112x16xf32, #tpu.memory_space<vmem_shared>> -> memref<64x16xf32, #tpu.memory_space<vmem_shared>>
        tpu.enqueue_dma source(%arg6 : memref<64x16xf32, #tpu.memory_space<vmem>>) target(%dma_start3A_805 : memref<64x16xf32, #tpu.memory_space<vmem_shared>>) target_semaphore(%run_scoped3A : memref<!tpu.dma_semaphore, #tpu.memory_space<semaphore_mem>>)
        %dma_wait3A = arith.constant 0 : i32
        %dma_wait3A_806 = tpu.memref_slice %arg7[%add3A_800, %dma_wait3A] : memref<10112x16xf32, #tpu.memory_space<vmem_shared>> -> memref<64x16xf32, #tpu.memory_space<vmem_shared>>
        %dma_wait3A_807 = arith.constant 0 : i32
        %dma_wait3A_808 = tpu.memref_slice %arg7[%add3A_800, %dma_wait3A_807] : memref<10112x16xf32, #tpu.memory_space<vmem_shared>> -> memref<64x16xf32, #tpu.memory_space<vmem_shared>>
        tpu.wait_dma2 semaphore(%run_scoped3A : memref<!tpu.dma_semaphore, #tpu.memory_space<semaphore_mem>>) src(%arg6 : memref<64x16xf32, #tpu.memory_space<vmem>>) dst(%dma_wait3A_808 : memref<64x16xf32, #tpu.memory_space<vmem_shared>>)
        tpu.yield
      }) : () -> ()
      %add3A_801 = arith.constant 576 : i32
      %add3A_802 = arith.addi %mul3A_770, %add3A_801 : i32
      "tpu.region"() ({
        %run_scoped3A = tpu.sem_alloc : memref<!tpu.dma_semaphore, #tpu.memory_space<semaphore_mem>>
        %dma_start3A = arith.constant 0 : i32
        %dma_start3A_803 = arith.constant 0 : i32
        %dma_start3A_804 = tpu.memref_slice %arg6[%dma_start3A, %dma_start3A_803] : memref<64x16xf32, #tpu.memory_space<vmem>> -> memref<56x16xf32, #tpu.memory_space<vmem>>
        %dma_start3A_805 = arith.constant 0 : i32
        %dma_start3A_806 = tpu.memref_slice %arg7[%add3A_802, %dma_start3A_805] : memref<10112x16xf32, #tpu.memory_space<vmem_shared>> -> memref<56x16xf32, #tpu.memory_space<vmem_shared>>
        %dma_start3A_807 = arith.constant 0 : i32
        %dma_start3A_808 = tpu.memref_slice %arg7[%add3A_802, %dma_start3A_807] : memref<10112x16xf32, #tpu.memory_space<vmem_shared>> -> memref<56x16xf32, #tpu.memory_space<vmem_shared>>
        %dma_start3A_809 = arith.constant 0 : i32
        %dma_start3A_810 = arith.constant 0 : i32
        %dma_start3A_811 = tpu.memref_slice %arg6[%dma_start3A_809, %dma_start3A_810] : memref<64x16xf32, #tpu.memory_space<vmem>> -> memref<56x16xf32, #tpu.memory_space<vmem>>
        tpu.enqueue_dma source(%dma_start3A_811 : memref<56x16xf32, #tpu.memory_space<vmem>>) target(%dma_start3A_808 : memref<56x16xf32, #tpu.memory_space<vmem_shared>>) target_semaphore(%run_scoped3A : memref<!tpu.dma_semaphore, #tpu.memory_space<semaphore_mem>>)
        %dma_wait3A = arith.constant 0 : i32
        %dma_wait3A_812 = arith.constant 0 : i32
        %dma_wait3A_813 = tpu.memref_slice %arg6[%dma_wait3A, %dma_wait3A_812] : memref<64x16xf32, #tpu.memory_space<vmem>> -> memref<56x16xf32, #tpu.memory_space<vmem>>
        %dma_wait3A_814 = arith.constant 0 : i32
        %dma_wait3A_815 = tpu.memref_slice %arg7[%add3A_802, %dma_wait3A_814] : memref<10112x16xf32, #tpu.memory_space<vmem_shared>> -> memref<56x16xf32, #tpu.memory_space<vmem_shared>>
        %dma_wait3A_816 = arith.constant 0 : i32
        %dma_wait3A_817 = tpu.memref_slice %arg7[%add3A_802, %dma_wait3A_816] : memref<10112x16xf32, #tpu.memory_space<vmem_shared>> -> memref<56x16xf32, #tpu.memory_space<vmem_shared>>
        %dma_wait3A_818 = arith.constant 0 : i32
        %dma_wait3A_819 = arith.constant 0 : i32
        %dma_wait3A_820 = tpu.memref_slice %arg6[%dma_wait3A_818, %dma_wait3A_819] : memref<64x16xf32, #tpu.memory_space<vmem>> -> memref<56x16xf32, #tpu.memory_space<vmem>>
        tpu.wait_dma2 semaphore(%run_scoped3A : memref<!tpu.dma_semaphore, #tpu.memory_space<semaphore_mem>>) src(%dma_wait3A_820 : memref<56x16xf32, #tpu.memory_space<vmem>>) dst(%dma_wait3A_817 : memref<56x16xf32, #tpu.memory_space<vmem_shared>>)
        tpu.yield
      }) : () -> ()
    } else {
    }
    %barrier3A = arith.constant 0 : index
    tpu.barrier barrier_id(%barrier3A)
    %eq3A_773 = arith.constant 0 : i32
    %eq3A_774 = arith.cmpi eq, %arg0, %eq3A_773 : i32
    %convert_element_type3A_775 = arith.extui %eq3A_774 : i1 to i32
    %cond3A_776 = arith.constant 0 : i32
    %cond3A_777 = arith.cmpi ne, %convert_element_type3A_775, %cond3A_776 : i32
    scf.if %cond3A_777 {
      %scan3A = arith.constant 0 : i32
      %scan3A_784 = arith.constant 320 : i32
      %scan3A_785 = arith.addi %scan3A, %scan3A_784 : i32
      %scan3A_786 = arith.constant 1 : i32
      scf.for %scan3A_788 = %scan3A to %scan3A_785 step %scan3A_786  : i32 {
        "tpu.region"() ({
          %run_scoped3A = tpu.sem_alloc : memref<!tpu.dma_semaphore, #tpu.memory_space<semaphore_mem>>
          %dma_start3A = arith.constant 0 : i32
          %dma_start3A_789 = tpu.memref_slice %arg4[%scan3A_788, %dma_start3A] : memref<320x64xi32, #tpu.memory_space<vmem>> -> memref<1x64xi32, #tpu.memory_space<vmem>>
          %dma_start3A_790 = tpu.memref_squeeze %dma_start3A_789 : memref<1x64xi32, #tpu.memory_space<vmem>> -> memref<64xi32, #tpu.memory_space<vmem>>
          %dma_start3A_791 = arith.constant 0 : i32
          %dma_start3A_792 = arith.constant 0 : i32
          %dma_start3A_793 = tpu.memref_slice %arg7[%dma_start3A_791, %dma_start3A_792] : memref<10112x16xf32, #tpu.memory_space<vmem_shared>> -> memref<10112x16xf32, #tpu.memory_space<vmem_shared>>
          tpu.enqueue_indirect_dma source(%arg5 : memref<64x16xf32, #tpu.memory_space<vmem>>) target(%dma_start3A_793 : memref<10112x16xf32, #tpu.memory_space<vmem_shared>>) offsets(%dma_start3A_790 : memref<64xi32, #tpu.memory_space<vmem>>) semaphore(%run_scoped3A : memref<!tpu.dma_semaphore, #tpu.memory_space<semaphore_mem>>) {add = true}
          %dma_wait3A = arith.constant 0 : i32
          %dma_wait3A_794 = tpu.memref_slice %arg4[%scan3A_788, %dma_wait3A] : memref<320x64xi32, #tpu.memory_space<vmem>> -> memref<1x64xi32, #tpu.memory_space<vmem>>
          %dma_wait3A_795 = tpu.memref_squeeze %dma_wait3A_794 : memref<1x64xi32, #tpu.memory_space<vmem>> -> memref<64xi32, #tpu.memory_space<vmem>>
          %dma_wait3A_796 = arith.constant 0 : i32
          %dma_wait3A_797 = arith.constant 0 : i32
          %dma_wait3A_798 = tpu.memref_slice %arg7[%dma_wait3A_796, %dma_wait3A_797] : memref<10112x16xf32, #tpu.memory_space<vmem_shared>> -> memref<10112x16xf32, #tpu.memory_space<vmem_shared>>
          tpu.wait_indirect_dma semaphore(%run_scoped3A : memref<!tpu.dma_semaphore, #tpu.memory_space<semaphore_mem>>) src(%arg5 : memref<64x16xf32, #tpu.memory_space<vmem>>) dst(%dma_wait3A_798 : memref<10112x16xf32, #tpu.memory_space<vmem_shared>>)
          tpu.yield
        }) : () -> ()
      }
      %scan3A_787 = arith.constant 320 : i32
    } else {
    }
    %barrier3A_778 = arith.constant 0 : index
    tpu.barrier barrier_id(%barrier3A_778)
    %eq3A_779 = arith.constant 0 : i32
    %eq3A_780 = arith.cmpi eq, %arg0, %eq3A_779 : i32
    %convert_element_type3A_781 = arith.extui %eq3A_780 : i1 to i32
    %cond3A_782 = arith.constant 0 : i32
    %cond3A_783 = arith.cmpi ne, %convert_element_type3A_781, %cond3A_782 : i32
    scf.if %cond3A_783 {
      "tpu.region"() ({
        %run_scoped3A = tpu.sem_alloc : memref<!tpu.dma_semaphore, #tpu.memory_space<semaphore_mem>>
        %dma_start3A = arith.constant 0 : i32
        %dma_start3A_784 = tpu.memref_slice %arg3[%mul3A_770, %dma_start3A] : memref<10112x16xf32, #tpu.memory_space<hbm>> -> memref<632x16xf32, #tpu.memory_space<hbm>>
        %dma_start3A_785 = arith.constant 0 : i32
        %dma_start3A_786 = tpu.memref_slice %arg7[%mul3A_770, %dma_start3A_785] : memref<10112x16xf32, #tpu.memory_space<vmem_shared>> -> memref<632x16xf32, #tpu.memory_space<vmem_shared>>
        tpu.enqueue_dma source(%dma_start3A_786 : memref<632x16xf32, #tpu.memory_space<vmem_shared>>) target(%dma_start3A_784 : memref<632x16xf32, #tpu.memory_space<hbm>>) target_semaphore(%run_scoped3A : memref<!tpu.dma_semaphore, #tpu.memory_space<semaphore_mem>>)
        %dma_wait3A = arith.constant 0 : i32
        %dma_wait3A_787 = tpu.memref_slice %arg3[%mul3A_770, %dma_wait3A] : memref<10112x16xf32, #tpu.memory_space<hbm>> -> memref<632x16xf32, #tpu.memory_space<hbm>>
        %dma_wait3A_788 = arith.constant 0 : i32
        %dma_wait3A_789 = tpu.memref_slice %arg7[%mul3A_770, %dma_wait3A_788] : memref<10112x16xf32, #tpu.memory_space<vmem_shared>> -> memref<632x16xf32, #tpu.memory_space<vmem_shared>>
        tpu.wait_dma2 semaphore(%run_scoped3A : memref<!tpu.dma_semaphore, #tpu.memory_space<semaphore_mem>>) src(%dma_wait3A_789 : memref<632x16xf32, #tpu.memory_space<vmem_shared>>) dst(%dma_wait3A_787 : memref<632x16xf32, #tpu.memory_space<hbm>>)
        tpu.yield
      }) : () -> ()
    } else {
    }
    return
  }
}

</mosaic_0001>

<sc_bundles>
// kernel: _sc_degree.3.cloned.1.call-start
scs
__scs_entry_jumppad:
0x0: {  	(pc) =	sbr.rel $0x88, $3  }
0x1: {  	(tag) =	ssettag $0x0;
	lr =	simm.s32 $0x1  }
0x2: {  	[smem:$0x3FA0] =	sst lr;
	_ =	strace $0xD0000000  }
0x3: {  	_ = 	snop  }
0x4: {  	_ = 	snop  }
0x5: {  	_ = 	snop  }
0x6: {  	_ = 	snop  }
0x7: {  	_ = 	snop  }
__scs_overlays_trampoline_lowered:
0x8: {  	[smem:$0x3FAF] =	sst s0  }
0x9: {  	[smem:$0x3FB0] =	sst s1  }
0xa: {  	[smem:$0x3FB1] =	sst s2  }
0xb: {  	[smem:$0x3FB2] =	sst s3  }
0xc: {  	[smem:$0x3FB3] =	sst s4  }
0xd: {  	[smem:$0x3FB4] =	sst s5  }
0xe: {  	[smem:$0x3FB5] =	sst s6  }
0xf: {  	[smem:$0x3FB6] =	sst s7  }
0x10: {  	[smem:$0x3FB7] =	sst s8  }
0x11: {  	[smem:$0x3FB8] =	sst s9;
	s0 =	simm.s32 @!p0 $0x0  }
0x12: {  	s1 =	sld [smem:$0x3F9E];
	s0 =	simm.s32 @p0 $0x1  }
0x13: {  	[smem:$0x3FB9] =	sst s0;
	s0 =	simm.s32 @!p1 $0x0  }
0x14: {  	s2 =	sld [smem:$0x3F9D];
	s0 =	simm.s32 @p1 $0x1  }
0x15: {  	[smem:$0x3FBA] =	sst s0;
	s0 =	simm.s32 @!p2 $0x0  }
0x16: {  	s3 =	sld [smem:$0x3FDB];
	s0 =	simm.s32 @p2 $0x1  }
0x17: {  	s4 =	simm.s32 $0x1BF5;
	[smem:$0x3FBC] =	sst s0  }
0x18: {  	s0 =	sld [smem:$0x3F9F];
	_ =	swait.ge [sflag:s4], $0x0  }
0x19: {  	s7 =	sld [smem:$0x3FA0]  }
0x1a: {  	s8 =	sadd.s32 $0xFFFFE003, lr  }
0x1b: {  	s9 =	sadd.s32 $0xFFFFFEF7, lr;
	s5 =	simm.s32 $0xFFFFFFFF;
	p2 =	slt.u32 s8, $0xFFFFF086  }
0x1c: {  	p1 =	slt.u32 s9, $0xF7A;
	s5 =	simm.s32 @!p2 $0x0  }
0x1d: {  	s5 =	simm.s32 @p1 $0x1;
	p0 =	seq.s32 s7, s2  }
0x1e: {  	s7 =	smul.u32 @!p0 $0xF7A, s2;
	p2 =	seq.s32 @!p0 s5, $0x0  }
0x1f: {  	s9 =	smul.u32 $0xF7A, s1;
	s8 =	simm.s32 @!p0 $0x1BF5;
	p2 =	por !p2, p0  }
0x20: {  	[sflag:s8] =	ssyncset.s32 @!p0 $0xFFFFF086;
	s6 =	sadd.s32 @!p0 s3, s7;
	s7 =	simm.s32 @!p0 $0x108  }
0x21: {  	s3 =	sadd.s32 s3, s9;
	s6 =	sadd.s32 @!p0 $0x88, s6;
	s7 =	simm.s32 @p2 $0x1082  }
0x22: {  	[simem:s7], [sflag:s8] =	dma.local @!p0 [hbm:s6], $0xF7A  }
0x23: {  	s9 =	sor.u32 $0xD0000000, s2;
	s6 =	simm.s32 $0x108;
	_ =	swait.ge @!p0 [sflag:s8], $0x0  }
0x24: {  	s3 =	sadd.s32 $0x88, s3;
	s6 =	simm.s32 @!p1 $0x1082;
	[sflag:s4] =	ssyncset.s32 $0xFFFFF086  }
0x25: {  	[simem:s6], [sflag:s4] =	dma.local [hbm:s3], $0xF7A  }
0x26: {  	[smem:$0x3FA0] =	sst s1;
	(tag) =	ssettag s2;
	_ =	strace s9  }
0x27: {  	s1 =	sld [smem:$0x3FB0]  }
0x28: {  	s2 =	sld [smem:$0x3FB1]  }
0x29: {  	s4 =	sld [smem:$0x3FB3]  }
0x2a: {  	p0 =	seq.s32 s5, $0x0;
	s5 =	sld [smem:$0x3FB4]  }
0x2b: {  	s6 =	sld [smem:$0x3FB5]  }
0x2c: {  	s7 =	sld [smem:$0x3FB6]  }
0x2d: {  	s3 =	simm.s32 $0x108;
	s8 =	sld [smem:$0x3FB7]  }
0x2e: {  	s3 =	simm.s32 @!p0 $0x1082;
	s9 =	sld [smem:$0x3FB8]  }
0x2f: {  	lr =	sadd.s32 s0, s3;
	s0 =	sld [smem:$0x3FAF]  }
0x30: {  	s3 =	sld [smem:$0x3FB2]  }
0x31: {  	[smem:$0x3FBB] =	sst s10  }
0x32: {  	s10 =	sld [smem:$0x3FB9];
	_ =	sdelay $0x3  }
0x33: {  	p0 =	seq.s32 s10, $0x1;
	s10 =	sld [smem:$0x3FBB];
	_ =	sdelay $0x3  }
0x34: {  	[smem:$0x3FBB] =	sst s10  }
0x35: {  	s10 =	sld [smem:$0x3FBA];
	_ =	sdelay $0x3  }
0x36: {  	p1 =	seq.s32 s10, $0x1;
	s10 =	sld [smem:$0x3FBB];
	_ =	sdelay $0x3  }
0x37: {  	[smem:$0x3FBB] =	sst s10  }
0x38: {  	s10 =	sld [smem:$0x3FBC]  }
0x39: {  	_ = 	snop;
	(pc) =	sbr.ind lr, $3  }
0x3a: {  	_ = 	snop  }
0x3b: {  	_ = 	snop  }
0x3c: {  	p2 =	seq.s32 s10, $0x1;
	s10 =	sld [smem:$0x3FBB]  }
0x3d: {  	_ =	shalt  }
0x3e: {  	_ =	shalt  }
0x3f: {  	_ =	shalt  }
0x40: {  	_ =	shalt  }
0x41: {  	_ =	shalt  }
0x42: {  	_ =	shalt  }
0x43: {  	_ =	shalt  }
0x44: {  	_ =	shalt  }
0x45: {  	_ =	shalt  }
0x46: {  	_ =	shalt  }
0x47: {  	_ =	shalt  }
0x48: {  	_ =	shalt  }
0x49: {  	_ =	shalt  }
0x4a: {  	_ =	shalt  }
0x4b: {  	_ =	shalt  }
0x4c: {  	_ =	shalt  }
0x4d: {  	_ =	shalt  }
0x4e: {  	_ =	shalt  }
0x4f: {  	_ =	shalt  }
0x50: {  	_ =	shalt  }
0x51: {  	_ =	shalt  }
0x52: {  	_ =	shalt  }
0x53: {  	_ =	shalt  }
0x54: {  	_ =	shalt  }
0x55: {  	_ =	shalt  }
0x56: {  	_ =	shalt  }
0x57: {  	_ =	shalt  }
0x58: {  	_ =	shalt  }
0x59: {  	_ =	shalt  }
0x5a: {  	_ =	shalt  }
0x5b: {  	_ =	shalt  }
0x5c: {  	_ =	shalt  }
0x5d: {  	_ =	shalt  }
0x5e: {  	_ =	shalt  }
0x5f: {  	_ =	shalt  }
0x60: {  	_ =	shalt  }
0x61: {  	_ =	shalt  }
0x62: {  	_ =	shalt  }
0x63: {  	_ =	shalt  }
0x64: {  	_ =	shalt  }
0x65: {  	_ =	shalt  }
0x66: {  	_ =	shalt  }
0x67: {  	_ =	shalt  }
0x68: {  	_ =	shalt  }
0x69: {  	_ =	shalt  }
0x6a: {  	_ =	shalt  }
0x6b: {  	_ =	shalt  }
0x6c: {  	_ =	shalt  }
0x6d: {  	_ =	shalt  }
0x6e: {  	_ =	shalt  }
0x6f: {  	_ =	shalt  }
0x70: {  	_ =	shalt  }
0x71: {  	_ =	shalt  }
0x72: {  	_ =	shalt  }
0x73: {  	_ =	shalt  }
0x74: {  	_ =	shalt  }
0x75: {  	_ =	shalt  }
0x76: {  	_ =	shalt  }
0x77: {  	_ =	shalt  }
0x78: {  	_ =	shalt  }
0x79: {  	_ =	shalt  }
0x7a: {  	_ =	shalt  }
0x7b: {  	_ =	shalt  }
0x7c: {  	_ =	shalt  }
0x7d: {  	_ =	shalt  }
0x7e: {  	_ =	shalt  }
0x7f: {  	_ =	shalt  }
0x80: {  	_ =	shalt  }
0x81: {  	_ =	shalt  }
0x82: {  	_ =	shalt  }
0x83: {  	_ =	shalt  }
0x84: {  	_ =	shalt  }
0x85: {  	_ =	shalt  }
0x86: {  	_ =	shalt  }
0x87: {  	_ =	shalt  }
.Lfunc_end0:
.L_simem_size_0:
called_computation_lowered:
.L_overlay_start_0:
0x88: {  	s2 =	sld [smem:$0x3FD9]  }
0x89: {  	s3 =	sld [smem:$0x3FFE];
	_ =	sdelay $0x1  }
0x8a: {  	s1 =	srdreg.scid  }
0x8b: {  	s0 =	sand.u32 $0x1, s1  }
0x8c: {  	s17 =	sshll.u32 s0, $0xA;
	s2 =	sadd.s32 s3, s2  }
0x8d: {  	s2 =	sadd.s32 s2, s17  }
0x8e: {  	[smem:$0x3FC7] =	sst s2  }
0x8f: {  	_ = 	snop  }
0x90: {  	s2 =	sld [smem:$0x3FD0];
	(tm) =	ssettm $0x1  }
0x91: {  	s18 =	sld [smem:$0x3FFB];
	_ =	sdelay $0x3  }
0x92: {  	_ =	strace s18  }
0x93: {  	s3 =	sld [smem:$0x3FFC];
	_ =	sdelay $0x3  }
0x94: {  	_ =	strace s3  }
0x95: {  	s3 =	sld [smem:$0x3FFD];
	_ =	sdelay $0x3  }
0x96: {  	_ =	strace s3  }
0x97: {  	_ =	strace $0x8FFFFFFF  }
0x98: {  	s19 =	sld [smem:$0x3FDB];
	_ =	sdelay $0x1  }
0x99: {  	s4 =	simm.s32 $_scs_section_size  }
0x9a: {  	s5 =	simm.s32 $_size__tile_overlayer_lowered;
	s6 =	simm.s32 $_tile_overlayer_lowered  }
0x9b: {  	s22 =	simm.s32 $0x1BFF;
	s21 =	sshll.u32 s6, $0x1;
	s3 =	sadd.s32 s4, s19  }
0x9c: {  	s7 =	simm.s32 $0x0;
	s20 =	sshll.u32 s5, $0x1;
	s5 =	sadd.s32 s21, s3  }
0x9d: {  	[timem:s7], [sflag:s22] =	dma.local [hbm:s5], s20  }
0x9e: {  	_ =	swait.ge [sflag:s22], s20  }
0x9f: {  	s4 =	ssub.s32 $0x0, s20;
	[sflag:s22] =	ssyncset.done $0x0  }
0xa0: {  	[sflag:s22] =	ssyncadd.s32 s4;
	_ =	sdelay $0x1  }
0xa1: {  	s23 =	simm.s32 $0x1B8B  }
0xa2: {  	_ =	swait.ge [sflag:s23], $0x1  }
0xa3: {  	[sflag:s23] =	ssyncset.done $0x0  }
0xa4: {  	s25 =	simm.s32 $0x1B8E;
	s24 =	sld [smem:$0x3FFE];
	[sflag:s23] =	ssyncadd.s32 $0xFFFFFFFF  }
0xa5: {  	s26 =	simm.s32 $execute0_lowered;
	[smem:$0x3FD2] =	sst s25  }
0xa6: {  	s5 =	sshll.u32 s26, $0x1;
	_ =	strace $0x80000046;
	[dreg:$0x1] =	wrdreg $0xFFFFFFFF  }
0xa7: {  	s28 =	simm.s32 $_size_execute0_lowered;
	s3 =	sadd.s32 s3, s5;
	[dreg:$0x0] =	wrdreg $0x0  }
0xa8: {  	s5 =	sshll.u32 s28, $0x1;
	[dreg:$0x2] =	wrdreg s3  }
0xa9: {  	[dreg:$0x3] =	wrdreg s5  }
0xaa: {  	[dreg:$0x4] =	wrdreg $0xC0  }
0xab: {  	_ =	task [dreg:s7], $0x5FFFF  }
0xac: {  	[dreg:$0x1] =	wrdreg $0xFFFFFFFF  }
0xad: {  	[dreg:$0x0] =	wrdreg $0x60  }
0xae: {  	[dreg:$0x2] =	wrdreg s24  }
0xaf: {  	[dreg:$0x3] =	wrdreg s2  }
0xb0: {  	[dreg:$0x4] =	wrdreg $0x58000  }
0xb1: {  	[dreg:$0x5] =	wrdreg $0x9  }
0xb2: {  	_ =	task.clear_ibuf [dreg:s7], $0x6FFFF;
	_ =	strace $0x90000046  }
0xb3: {  	s29 =	simm.s32 $0x9;
	_ =	strace $0x80000048  }
0xb4: {  	_ =	swait.ge [sflag:s29], $0x1  }
0xb5: {  	[sflag:s29] =	ssyncadd.s32 $0xFFFFFFFF  }
0xb6: {  	_ =	strace $0x90000048  }
0xb7: {  	_ =	sfence  }
0xb8: {  	s30 =	sld [smem:$0x0];
	_ =	sdelay $0x2  }
0xb9: {  	s31 =	sshll.u32 s1, $0xD;
	s1 =	sshrl.u32 s1, $0x2  }
0xba: {  	s3 =	sand.u32 $0x4000, s31;
	s1 =	sadd.s32 s1, s30  }
0xbb: {  	s0 =	sor.u32 s3, s0;
	s1 =	sshll.u32 s1, $0x11  }
0xbc: {  	s0 =	sor.u32 s1, s0  }
0xbd: {  	s0 =	sadd.s32 $0x8F2B, s0  }
0xbe: {  	[sflag:s0] =	ssyncadd.remote.s32 $0x1  }
0xbf: {  	_ =	sfence.sel $0xFFFF  }
0xc0: {  	[dreg:$0x0] =	wrdreg $0xFFFFFFFF;
	(pc) =	sbr.abs _section_cstart, $3  }
0xc1: {  	[dreg:$0x1] =	wrdreg $0xFFFFFFFF  }
0xc2: {  	_ =	task.clear_ibuf [dreg:s7], $0x2FFFF;
	_ =	strace $0x9FFFFFFF  }
0xc3: {  	(tm) =	ssettm $0x7FFFFFFF  }
tec
execute0_lowered:
.L_overlay_start_1:
0x0: {  	(tag) =	ssettag $0x1  }
0x1: {  	s4 =	rddreg [dreg:$0x0]  }
0x2: {  	s15 =	rddreg [dreg:$0x1]  }
0x3: {  	s2 =	rddreg [dreg:$0x2]  }
0x4: {  	s0 =	rddreg [dreg:$0x3];
	s1 =	stileid.u32;
	s3 =	simm.s32 $0x0  }
0x5: {  	s5 =	srdreg.scid;
	s20 =	simm.s32 $0x5000;
	s6 =	smul.u32 $0x9E00, s1  }
0x6: {  	[smem:$0x7FF] =	sst s3;
	s7 =	smul.u32 $0xA00, s1;
	s17 =	sand.u32 $0x1, s5  }
0x7: {  	s18 =	smul.u32 $0x2780, s1;
	s21 =	sshll.u32 s1, $0x6;
	_ =	strace $0x80000047  }
0x8: {  	s5 =	ssub.s32 $0x2, s17;
	p0 =	sne.s32 s17, $0x0;
	s17 =	simm.s32 $0x1  }
0x9: {  	s21 =	sor.u32 $0x1C01, s21;
	s6 =	sshrl.u32 s6, $0x2;
	s7 =	sadd.s32 s7, s4  }
0xa: {  	s8 =	sshrl.u32 s5, $0x1;
	s19 =	sshrl.u32 s18, $0x3;
	s22 =	sadd.s32 s18, s2  }
0xb: {  	s18 =	simm.s32 $0x5400;
	s4 =	sadd.s32 s6, s2;
	s16 =	ssub.s32 s5, s8  }
.Ltmp0:
0xc: {  	s5 =	sadd.s32 $0x400, s7;
	s15 =	sadd.s32 s15, s19;
	(pc) =	sbr.rel .LBB2_1-.Ltmp0, $4  }
0xd: {  	s19 =	simm.s32 $0x40;
	s22 =	sshrl.u32 s22, $0x3;
	s6 =	sadd.s32 $0x400, s4  }
0xe: {  	s7 =	sadd.s32 $0x800, s4;
	s8 =	sadd.s32 $0xC00, s4;
	s9 =	sadd.s32 $0x1000, s4  }
0xf: {  	s10 =	sadd.s32 $0x1400, s4;
	s11 =	sadd.s32 $0x1800, s4;
	s12 =	sadd.s32 $0x1C00, s4  }
0x10: {  	v0 =	vimm.f32 $1.000000000e+00;
	v1 =	vimm.f32 $0.0e+00;
	s13 =	sadd.s32 $0x2000, s4;
	s14 =	sadd.s32 $0x2400, s4;
	s16 =	smax.u32 s16, $0x1  }
.LBB2_7:
0x11: {  	[bflag:$0x0] =	sbarrier.arrive $0xFFFF  }
0x12: {  	[bflag:$0x0] =	sbarrier.arrive $0xFFFF  }
.LBB2_5:
0x13: {  	s3 =	sadd.s32 $0x1, s3  }
0x14: {  	p1 =	sne.s32 s3, s16  }
.Ltmp1:
0x15: {  	_ = 	snop;
	(pc) =	sbr.rel @!p1 .LBB2_6-.Ltmp1, $1  }
0x16: {  	_ =	sdelay $0x3  }
.LBB2_1:
0x17: {  	[tilespmem:$0x5000] =	vst v0  }
0x18: {  	[tilespmem:$0x5400] =	vst v1  }
0x19: {  	[tilespmem:$0x5010] =	vst v0  }
0x1a: {  	[tilespmem:$0x5410] =	vst v1  }
0x1b: {  	[tilespmem:$0x5020] =	vst v0  }
0x1c: {  	[tilespmem:$0x5420] =	vst v1  }
0x1d: {  	[tilespmem:$0x5030] =	vst v0  }
0x1e: {  	[tilespmem:$0x5430] =	vst v1  }
0x1f: {  	[tilespmem:$0x5040] =	vst v0  }
0x20: {  	[tilespmem:$0x5440] =	vst v1  }
0x21: {  	[tilespmem:$0x5050] =	vst v0  }
0x22: {  	[tilespmem:$0x5450] =	vst v1  }
0x23: {  	[tilespmem:$0x5060] =	vst v0  }
0x24: {  	[tilespmem:$0x5460] =	vst v1  }
0x25: {  	[tilespmem:$0x5070] =	vst v0  }
0x26: {  	[tilespmem:$0x5470] =	vst v1  }
0x27: {  	[tilespmem:$0x5080] =	vst v0  }
0x28: {  	[tilespmem:$0x5480] =	vst v1  }
0x29: {  	[tilespmem:$0x5090] =	vst v0  }
0x2a: {  	[tilespmem:$0x5490] =	vst v1  }
0x2b: {  	[tilespmem:$0x50A0] =	vst v0  }
0x2c: {  	[tilespmem:$0x54A0] =	vst v1  }
0x2d: {  	[tilespmem:$0x50B0] =	vst v0  }
0x2e: {  	[tilespmem:$0x54B0] =	vst v1  }
0x2f: {  	[tilespmem:$0x50C0] =	vst v0  }
0x30: {  	[tilespmem:$0x54C0] =	vst v1  }
0x31: {  	[tilespmem:$0x50D0] =	vst v0  }
0x32: {  	[tilespmem:$0x54D0] =	vst v1  }
0x33: {  	[tilespmem:$0x50E0] =	vst v0  }
0x34: {  	[tilespmem:$0x54E0] =	vst v1  }
0x35: {  	[tilespmem:$0x50F0] =	vst v0  }
0x36: {  	[tilespmem:$0x54F0] =	vst v1  }
0x37: {  	[tilespmem:$0x5100] =	vst v0  }
0x38: {  	[tilespmem:$0x5500] =	vst v1  }
0x39: {  	[tilespmem:$0x5110] =	vst v0  }
0x3a: {  	[tilespmem:$0x5510] =	vst v1  }
0x3b: {  	[tilespmem:$0x5120] =	vst v0  }
0x3c: {  	[tilespmem:$0x5520] =	vst v1  }
0x3d: {  	[tilespmem:$0x5130] =	vst v0  }
0x3e: {  	[tilespmem:$0x5530] =	vst v1  }
0x3f: {  	[tilespmem:$0x5140] =	vst v0  }
0x40: {  	[tilespmem:$0x5540] =	vst v1  }
0x41: {  	[tilespmem:$0x5150] =	vst v0  }
0x42: {  	[tilespmem:$0x5550] =	vst v1  }
0x43: {  	[tilespmem:$0x5160] =	vst v0  }
0x44: {  	[tilespmem:$0x5560] =	vst v1  }
0x45: {  	[tilespmem:$0x5170] =	vst v0  }
0x46: {  	[tilespmem:$0x5570] =	vst v1  }
0x47: {  	[tilespmem:$0x5180] =	vst v0  }
0x48: {  	[tilespmem:$0x5580] =	vst v1  }
0x49: {  	[tilespmem:$0x5190] =	vst v0  }
0x4a: {  	[tilespmem:$0x5590] =	vst v1  }
0x4b: {  	[tilespmem:$0x51A0] =	vst v0  }
0x4c: {  	[tilespmem:$0x55A0] =	vst v1  }
0x4d: {  	[tilespmem:$0x51B0] =	vst v0  }
0x4e: {  	[tilespmem:$0x55B0] =	vst v1  }
0x4f: {  	[tilespmem:$0x51C0] =	vst v0  }
0x50: {  	[tilespmem:$0x55C0] =	vst v1  }
0x51: {  	[tilespmem:$0x51D0] =	vst v0  }
0x52: {  	[tilespmem:$0x55D0] =	vst v1  }
0x53: {  	[tilespmem:$0x51E0] =	vst v0  }
0x54: {  	[tilespmem:$0x55E0] =	vst v1  }
0x55: {  	[tilespmem:$0x51F0] =	vst v0  }
0x56: {  	[tilespmem:$0x55F0] =	vst v1  }
0x57: {  	[tilespmem:$0x5200] =	vst v0  }
0x58: {  	[tilespmem:$0x5600] =	vst v1  }
0x59: {  	[tilespmem:$0x5210] =	vst v0  }
0x5a: {  	[tilespmem:$0x5610] =	vst v1  }
0x5b: {  	[tilespmem:$0x5220] =	vst v0  }
0x5c: {  	[tilespmem:$0x5620] =	vst v1  }
0x5d: {  	[tilespmem:$0x5230] =	vst v0  }
0x5e: {  	[tilespmem:$0x5630] =	vst v1  }
0x5f: {  	[tilespmem:$0x5240] =	vst v0  }
0x60: {  	[tilespmem:$0x5640] =	vst v1  }
0x61: {  	[tilespmem:$0x5250] =	vst v0  }
0x62: {  	[tilespmem:$0x5650] =	vst v1  }
0x63: {  	[tilespmem:$0x5260] =	vst v0  }
0x64: {  	[tilespmem:$0x5660] =	vst v1  }
0x65: {  	[tilespmem:$0x5270] =	vst v0  }
0x66: {  	[tilespmem:$0x5670] =	vst v1  }
0x67: {  	[tilespmem:$0x5280] =	vst v0  }
0x68: {  	[tilespmem:$0x5680] =	vst v1  }
0x69: {  	[tilespmem:$0x5290] =	vst v0  }
0x6a: {  	[tilespmem:$0x5690] =	vst v1  }
0x6b: {  	[tilespmem:$0x52A0] =	vst v0  }
0x6c: {  	[tilespmem:$0x56A0] =	vst v1  }
0x6d: {  	[tilespmem:$0x52B0] =	vst v0  }
0x6e: {  	[tilespmem:$0x56B0] =	vst v1  }
0x6f: {  	[tilespmem:$0x52C0] =	vst v0  }
0x70: {  	[tilespmem:$0x56C0] =	vst v1  }
0x71: {  	[tilespmem:$0x52D0] =	vst v0  }
0x72: {  	[tilespmem:$0x56D0] =	vst v1  }
0x73: {  	[tilespmem:$0x52E0] =	vst v0  }
0x74: {  	[tilespmem:$0x56E0] =	vst v1  }
0x75: {  	[tilespmem:$0x52F0] =	vst v0  }
0x76: {  	[tilespmem:$0x56F0] =	vst v1  }
0x77: {  	[tilespmem:$0x5300] =	vst v0  }
0x78: {  	[tilespmem:$0x5700] =	vst v1  }
0x79: {  	[tilespmem:$0x5310] =	vst v0  }
0x7a: {  	[tilespmem:$0x5710] =	vst v1  }
0x7b: {  	[tilespmem:$0x5320] =	vst v0  }
0x7c: {  	[tilespmem:$0x5720] =	vst v1  }
0x7d: {  	[tilespmem:$0x5330] =	vst v0  }
0x7e: {  	[tilespmem:$0x5730] =	vst v1  }
0x7f: {  	[tilespmem:$0x5340] =	vst v0  }
0x80: {  	[tilespmem:$0x5740] =	vst v1  }
0x81: {  	[tilespmem:$0x5350] =	vst v0  }
0x82: {  	[tilespmem:$0x5750] =	vst v1  }
0x83: {  	[tilespmem:$0x5360] =	vst v0  }
0x84: {  	[tilespmem:$0x5760] =	vst v1  }
0x85: {  	[tilespmem:$0x5370] =	vst v0  }
0x86: {  	[tilespmem:$0x5770] =	vst v1  }
0x87: {  	[tilespmem:$0x5380] =	vst v0  }
0x88: {  	[tilespmem:$0x5780] =	vst v1  }
0x89: {  	[tilespmem:$0x5390] =	vst v0  }
0x8a: {  	[tilespmem:$0x5790] =	vst v1  }
0x8b: {  	[tilespmem:$0x53A0] =	vst v0  }
0x8c: {  	[tilespmem:$0x57A0] =	vst v1  }
0x8d: {  	[tilespmem:$0x53B0] =	vst v0  }
0x8e: {  	[tilespmem:$0x57B0] =	vst v1  }
0x8f: {  	[tilespmem:$0x53C0] =	vst v0  }
0x90: {  	[tilespmem:$0x57C0] =	vst v1  }
0x91: {  	[tilespmem:$0x53D0] =	vst v0  }
.Ltmp2:
0x92: {  	[tilespmem:$0x57D0] =	vst v1;
	(pc) =	sbr.rel @p0 .LBB2_7-.Ltmp2, $4  }
0x93: {  	[tilespmem:$0x53E0] =	vst v0  }
0x94: {  	[tilespmem:$0x57E0] =	vst v1  }
0x95: {  	[tilespmem:$0x53F0] =	vst v0  }
0x96: {  	[tilespmem:$0x57F0] =	vst v1  }
0x97: {  	s23 =	simm.s32 $0x0  }
0x98: {  	[tilespmem:s23], [sflag:$0x1] =	stream.linear.gather [hbm4b:s5+s23], $0x5000, $0x38;
	[tilespmem:$0x7F80] =	vst v63  }
0x99: {  	_ =	swait.ge [sflag:s17], $0x5000  }
0x9a: {  	[sflag:s17] =	ssyncset.done $0x0  }
0x9b: {  	[sflag:s17] =	ssyncadd.s32 $0xFFFFB000  }
0x9c: {  	[spmem:s4] =	stream.linear.scatter [tilespmem:s18], [sflag:$0x1], $0x400, $0x38;
	[tilespmem:$0x7F80] =	vst v63  }
0x9d: {  	_ =	swait.ge [sflag:s17], $0x400  }
0x9e: {  	[sflag:s17] =	ssyncset.done $0x0  }
0x9f: {  	[sflag:s17] =	ssyncadd.s32 $0xFFFFFC00  }
0xa0: {  	[spmem:s6] =	stream.linear.scatter [tilespmem:s18], [sflag:$0x1], $0x400, $0x38;
	[tilespmem:$0x7F80] =	vst v63  }
0xa1: {  	_ =	swait.ge [sflag:s17], $0x400  }
0xa2: {  	[sflag:s17] =	ssyncset.done $0x0  }
0xa3: {  	[sflag:s17] =	ssyncadd.s32 $0xFFFFFC00  }
0xa4: {  	[spmem:s7] =	stream.linear.scatter [tilespmem:s18], [sflag:$0x1], $0x400, $0x38;
	[tilespmem:$0x7F80] =	vst v63  }
0xa5: {  	_ =	swait.ge [sflag:s17], $0x400  }
0xa6: {  	[sflag:s17] =	ssyncset.done $0x0  }
0xa7: {  	[sflag:s17] =	ssyncadd.s32 $0xFFFFFC00  }
0xa8: {  	[spmem:s8] =	stream.linear.scatter [tilespmem:s18], [sflag:$0x1], $0x400, $0x38;
	[tilespmem:$0x7F80] =	vst v63  }
0xa9: {  	_ =	swait.ge [sflag:s17], $0x400  }
0xaa: {  	[sflag:s17] =	ssyncset.done $0x0  }
0xab: {  	[sflag:s17] =	ssyncadd.s32 $0xFFFFFC00  }
0xac: {  	[spmem:s9] =	stream.linear.scatter [tilespmem:s18], [sflag:$0x1], $0x400, $0x38;
	[tilespmem:$0x7F80] =	vst v63  }
0xad: {  	_ =	swait.ge [sflag:s17], $0x400  }
0xae: {  	[sflag:s17] =	ssyncset.done $0x0  }
0xaf: {  	[sflag:s17] =	ssyncadd.s32 $0xFFFFFC00  }
0xb0: {  	[spmem:s10] =	stream.linear.scatter [tilespmem:s18], [sflag:$0x1], $0x400, $0x38;
	[tilespmem:$0x7F80] =	vst v63  }
0xb1: {  	_ =	swait.ge [sflag:s17], $0x400  }
0xb2: {  	[sflag:s17] =	ssyncset.done $0x0  }
0xb3: {  	[sflag:s17] =	ssyncadd.s32 $0xFFFFFC00  }
0xb4: {  	[spmem:s11] =	stream.linear.scatter [tilespmem:s18], [sflag:$0x1], $0x400, $0x38;
	[tilespmem:$0x7F80] =	vst v63  }
0xb5: {  	_ =	swait.ge [sflag:s17], $0x400  }
0xb6: {  	[sflag:s17] =	ssyncset.done $0x0  }
0xb7: {  	[sflag:s17] =	ssyncadd.s32 $0xFFFFFC00  }
0xb8: {  	[spmem:s12] =	stream.linear.scatter [tilespmem:s18], [sflag:$0x1], $0x400, $0x38;
	[tilespmem:$0x7F80] =	vst v63  }
0xb9: {  	_ =	swait.ge [sflag:s17], $0x400  }
0xba: {  	[sflag:s17] =	ssyncset.done $0x0  }
0xbb: {  	[sflag:s17] =	ssyncadd.s32 $0xFFFFFC00  }
0xbc: {  	[spmem:s13] =	stream.linear.scatter [tilespmem:s18], [sflag:$0x1], $0x400, $0x38;
	[tilespmem:$0x7F80] =	vst v63  }
0xbd: {  	_ =	swait.ge [sflag:s17], $0x400  }
0xbe: {  	[sflag:s17] =	ssyncset.done $0x0  }
0xbf: {  	[sflag:s17] =	ssyncadd.s32 $0xFFFFFC00  }
0xc0: {  	[spmem:s14] =	stream.linear.scatter [tilespmem:s18], [sflag:$0x1], $0x380, $0x38;
	[tilespmem:$0x7F80] =	vst v63  }
0xc1: {  	_ =	swait.ge [sflag:s17], $0x380  }
0xc2: {  	[sflag:s17] =	ssyncset.done $0x0  }
0xc3: {  	[sflag:s17] =	ssyncadd.s32 $0xFFFFFC80  }
0xc4: {  	s31 =	simm.s32 $0x0;
	[bflag:$0x0] =	sbarrier.arrive $0xFFFF  }
0xc5: {  	[spmem:s2] =	stream.indirect.scatter.add.f32 [tilespmem:s20], [sflag:$0x1], $0x10, s31, s19, $0xb8;
	[tilespmem:$0x7F80] =	vst v63  }
0xc6: {  	_ =	swait.ge [sflag:s17], $0x400  }
0xc7: {  	s23 =	simm.s32 $0x100;
	[sflag:s17] =	ssyncset.done $0x0  }
.LBB2_3:
0xc8: {  	s24 =	sshra.s32 s23, $0x2;
	[sflag:s17] =	ssyncadd.s32 $0xFFFFFC00;
	p1 =	seq.s32 s23, $0x13F00  }
0xc9: {  	[spmem:s2] =	stream.indirect.scatter.add.f32 [tilespmem:s20], [sflag:$0x1], $0x10, s24, s19, $0xb8;
	[tilespmem:$0x7F80] =	vst v63  }
.Ltmp3:
0xca: {  	_ = 	snop;
	(pc) =	sbr.rel @!p1 .LBB2_3-.Ltmp3, $4  }
0xcb: {  	_ = 	snop  }
0xcc: {  	s23 =	sadd.s32 $0x100, s23  }
0xcd: {  	_ =	swait.ge [sflag:s17], $0x400  }
0xce: {  	[sflag:s17] =	ssyncset.done $0x0  }
0xcf: {  	[sflag:s17] =	ssyncadd.s32 $0xFFFFFC00  }
.Ltmp4:
0xd0: {  	[bflag:$0x0] =	sbarrier.arrive $0xFFFF;
	(pc) =	sbr.rel .LBB2_5-.Ltmp4, $4  }
0xd1: {  	[hbm:s15], [sflag:s21] =	dma.local [spmem:s22], $0x4F0  }
0xd2: {  	_ =	swait.ge [sflag:s17], $0x4F0  }
0xd3: {  	[sflag:s17] =	ssyncset.done $0x0  }
0xd4: {  	[sflag:s17] =	ssyncadd.s32 $0xFFFFFB10  }
.LBB2_6:
0xd5: {  	_ =	sfence.sel $0x180000  }
0xd6: {  	[bflag:$0x0] =	sbarrier.arrive $0xFFFF  }
0xd7: {  	p0 =	sne.s32 s1, $0x0;
	_ =	strace $0x90000047  }
0xd8: {  	s0 =	sadd.s32 @!p0 $0x100000, s0;
	[bflag:$0x2] =	sbarrier.arrive $0xFFFF  }
0xd9: {  	[sflag:s0] =	ssyncadd.tile.s32 @!p0 $0x1;
	_ =	shalt  }
.Lfunc_end2:
_tile_overlayer_lowered:
.L_overlay_start_2:
0xda: {  	(tag) =	ssettag $0x2  }
0xdb: {  	s0 =	rddreg [dreg:$0x0];
	s2 =	stileid.u32  }
0xdc: {  	s1 =	rddreg [dreg:$0x1];
	p0 =	sne.s32 s2, $0x0  }
0xdd: {  	s3 =	rddreg [dreg:$0x2];
	[bflag:$0x3] =	sbarrier.arrive $0xFFFF;
	s2 =	simm.s32 @!p0 $0x1C01  }
0xde: {  	[timem:s3], [sflag:s2] =	dma.local @!p0 [hbm:s0], s1  }
0xdf: {  	s0 =	simm.s32 @!p0 $0x1  }
0xe0: {  	_ =	swait.ge @!p0 [sflag:s0], s1  }
0xe1: {  	s1 =	ssub.s32 @!p0 $0x0, s1;
	[sflag:s0] =	ssyncset.done @!p0 $0x0  }
0xe2: {  	[sflag:s0] =	ssyncadd.s32 @!p0 s1  }
0xe3: {  	[bflag:$0x3] =	sbarrier.arrive $0xFFFF  }
0xe4: {  	_ =	shalt  }

</sc_bundles>
